<compile_context>
chip_gen: v7x
topology: tpu7x:2x2x1
jax: 0.10.2.dev20260603
libtpu: 0.0.44.dev20260713+nightly
codegen_flags: <defaults>
</compile_context>

<pallas_src>
import functools

import jax
import jax.numpy as jnp
from jax import lax
from jax.experimental import pallas as pl
from jax.experimental.pallas import tpu as pltpu
from jax.experimental.pallas import tpu_sc as plsc

N = 10000
N_PAD = 10240
E = 320000
H = 128
G = 100
C = 10

NC = 2
NS = 16
NW = NC * NS
EPT = E // NW
CH = 125
NK = EPT // CH
RPS = N_PAD // NS

_mesh = plsc.VectorSubcoreMesh(core_axis_name="c", subcore_axis_name="s")


@functools.partial(
    pl.kernel,
    out_type=jax.ShapeDtypeStruct((NC, N_PAD, H), jnp.float32),
    mesh=_mesh,
    scratch_types=[
        pltpu.VMEM((NK, CH), jnp.int32),
        pltpu.VMEM((CH, H), jnp.float32),
        pltpu.VMEM_SHARED((N_PAD, H), jnp.float32),
    ],
)
def _sc_degree(col_hbm, z_hbm, ones_hbm, deg_hbm, colb, onesb, degs):
    c = lax.axis_index("c")
    s = lax.axis_index("s")
    w = c * NS + s
    pltpu.sync_copy(z_hbm, degs.at[pl.ds(s * RPS, RPS)])
    pltpu.sync_copy(col_hbm.at[pl.ds(w * NK, NK)], colb)
    pltpu.sync_copy(ones_hbm, onesb)
    plsc.subcore_barrier()

    def body(k, carry):
        pltpu.sync_copy(onesb, degs.at[colb.at[k]], add=True)
        return carry

    lax.fori_loop(0, NK, body, 0)
    plsc.subcore_barrier()
    pltpu.sync_copy(degs.at[pl.ds(s * RPS, RPS)],
                    deg_hbm.at[c, pl.ds(s * RPS, RPS)])


@functools.partial(
    pl.kernel,
    out_type=jax.ShapeDtypeStruct((NC, N_PAD, H), jnp.float32),
    mesh=_mesh,
    scratch_types=[
        pltpu.VMEM((NK, CH), jnp.int32),
        pltpu.VMEM((NK, CH), jnp.int32),
        pltpu.VMEM((CH, H), jnp.float32),
        pltpu.VMEM_SHARED((N_PAD, H), jnp.float32),
        pltpu.SemaphoreType.DMA,
    ],
)
def _sc_scatter(y_hbm, row_hbm, col_hbm, z_hbm, acc_hbm,
                rowb, colb, rows, accs, sem):
    c = lax.axis_index("c")
    s = lax.axis_index("s")
    w = c * NS + s
    pltpu.sync_copy(z_hbm, accs.at[pl.ds(s * RPS, RPS)])
    pltpu.sync_copy(row_hbm.at[pl.ds(w * NK, NK)], rowb)
    pltpu.sync_copy(col_hbm.at[pl.ds(w * NK, NK)], colb)
    plsc.subcore_barrier()

    def body(k, carry):
        pltpu.async_copy(y_hbm.at[rowb.at[k]], rows, sem).wait()
        pltpu.sync_copy(rows, accs.at[colb.at[k]], add=True)
        return carry

    lax.fori_loop(0, NK, body, 0)
    plsc.subcore_barrier()
    pltpu.sync_copy(accs.at[pl.ds(s * RPS, RPS)],
                    acc_hbm.at[c, pl.ds(s * RPS, RPS)])


def _dinv(dp_ref):
    return lax.rsqrt(1.0 + dp_ref[0, :, 0:1] + dp_ref[1, :, 0:1])


def _m0_body(x_ref, dp_ref, wi_ref, bi_ref, w0_ref, y_ref):
    h = jnp.dot(x_ref[...], wi_ref[...],
                preferred_element_type=jnp.float32) + bi_ref[...]
    y_ref[...] = _dinv(dp_ref) * jnp.dot(
        h, w0_ref[...], preferred_element_type=jnp.float32)


def _m12_body(acc_ref, y_ref, dp_ref, b_ref, g_ref, bb_ref, w_ref, out_ref):
    dinv = _dinv(dp_ref)
    h = dinv * (acc_ref[0] + acc_ref[1] + y_ref[...]) + b_ref[...]
    h = jnp.maximum(h, 0.0)
    m = jnp.mean(h, axis=1, keepdims=True)
    v = jnp.mean((h - m) ** 2, axis=1, keepdims=True)
    h = (h - m) * lax.rsqrt(v + 1e-5) * g_ref[...] + bb_ref[...]
    out_ref[...] = dinv * jnp.dot(
        h, w_ref[...], preferred_element_type=jnp.float32)


BN = 2000
BN3 = 1000


def _m3_body(acc_ref, y_ref, dp_ref, b_ref, batch_ref, wc_ref, bc_ref,
             emb_ref, logp_ref, sums, cnts):
    i = pl.program_id(0)
    dinv = _dinv(dp_ref)
    h = dinv * (acc_ref[0] + acc_ref[1] + y_ref[...]) + b_ref[...]
    onehot = (jax.lax.broadcasted_iota(jnp.int32, (BN3, G), 1)
              == batch_ref[...]).astype(jnp.float32)
    ps = jax.lax.dot_general(onehot, h, (((0,), (0,)), ((), ())),
                             preferred_element_type=jnp.float32)
    pc = jax.lax.dot_general(onehot, jnp.ones_like(h),
                             (((0,), (0,)), ((), ())),
                             preferred_element_type=jnp.float32)

    @pl.when(i == 0)
    def _():
        sums[...] = ps
        cnts[...] = pc

    @pl.when(i > 0)
    def _():
        sums[...] += ps
        cnts[...] += pc

    @pl.when(i == pl.num_programs(0) - 1)
    def _():
        mean = sums[...] / jnp.maximum(cnts[...], 1.0)
        emb = jnp.dot(mean, wc_ref[...],
                      preferred_element_type=jnp.float32) + bc_ref[...]
        mx = jnp.max(emb, axis=1, keepdims=True)
        ls = jnp.log(jnp.sum(jnp.exp(emb - mx), axis=1, keepdims=True))
        emb_ref[...] = emb
        logp_ref[...] = emb - mx - ls


def _full(shape):
    return pl.BlockSpec(shape, lambda i: (0,) * len(shape))


def _m0(x, dp, wi, bi, w0):
    return pl.pallas_call(
        _m0_body,
        grid=(N // BN,),
        in_specs=[
            pl.BlockSpec((BN, H), lambda i: (i, 0)),
            pl.BlockSpec((NC, BN, H), lambda i: (0, i, 0)),
            _full((H, H)),
            _full((1, H)),
            _full((H, H)),
        ],
        out_specs=pl.BlockSpec((BN, H), lambda i: (i, 0)),
        out_shape=jax.ShapeDtypeStruct((N, H), jnp.float32),
    )(x, dp, wi, bi, w0)


def _m12(acc, y, dp, b, g, bb, w):
    return pl.pallas_call(
        _m12_body,
        grid=(N // BN,),
        in_specs=[
            pl.BlockSpec((NC, BN, H), lambda i: (0, i, 0)),
            pl.BlockSpec((BN, H), lambda i: (i, 0)),
            pl.BlockSpec((NC, BN, H), lambda i: (0, i, 0)),
            _full((1, H)),
            _full((1, H)),
            _full((1, H)),
            _full((H, H)),
        ],
        out_specs=pl.BlockSpec((BN, H), lambda i: (i, 0)),
        out_shape=jax.ShapeDtypeStruct((N, H), jnp.float32),
    )(acc, y, dp, b, g, bb, w)


def _m3(acc, y, dp, b, batch2d, wc, bc):
    return pl.pallas_call(
        _m3_body,
        grid=(N // BN3,),
        in_specs=[
            pl.BlockSpec((NC, BN3, H), lambda i: (0, i, 0)),
            pl.BlockSpec((BN3, H), lambda i: (i, 0)),
            pl.BlockSpec((NC, BN3, H), lambda i: (0, i, 0)),
            _full((1, H)),
            pl.BlockSpec((BN3, 1), lambda i: (i, 0)),
            _full((H, C)),
            _full((1, C)),
        ],
        out_specs=[_full((G, C)), _full((G, C))],
        out_shape=[
            jax.ShapeDtypeStruct((G, C), jnp.float32),
            jax.ShapeDtypeStruct((G, C), jnp.float32),
        ],
        scratch_shapes=[
            pltpu.VMEM((G, H), jnp.float32),
            pltpu.VMEM((G, H), jnp.float32),
        ],
    )(acc, y, dp, b, batch2d, wc, bc)


def kernel(x, edge_index, batch, ptr, centrality, W_init, b_init,
           W0, b0, W1, b1, W2, b2, ln0_g, ln0_b, ln1_g, ln1_b,
           W_cls, b_cls):
    row = edge_index[0].astype(jnp.int32).reshape(NW * NK, CH)
    col = edge_index[1].astype(jnp.int32).reshape(NW * NK, CH)
    zh = jnp.zeros((RPS, H), jnp.float32)
    bi = b_init.reshape(1, H)
    b0r, b1r, b2r = b0.reshape(1, H), b1.reshape(1, H), b2.reshape(1, H)
    g0, bb0 = ln0_g.reshape(1, H), ln0_b.reshape(1, H)
    g1, bb1 = ln1_g.reshape(1, H), ln1_b.reshape(1, H)
    bc = b_cls.reshape(1, C)
    batch2d = batch.astype(jnp.int32).reshape(N, 1)

    dp = _sc_degree(col, zh, jnp.ones((CH, H), jnp.float32))
    y0 = _m0(x, dp, W_init, bi, W0)
    acc = _sc_scatter(y0, row, col, zh)
    y1 = _m12(acc, y0, dp, b0r, g0, bb0, W1)
    acc = _sc_scatter(y1, row, col, zh)
    y2 = _m12(acc, y1, dp, b1r, g1, bb1, W2)
    acc = _sc_scatter(y2, row, col, zh)
    emb, logp = _m3(acc, y2, dp, b2r, batch2d, W_cls, bc)
    return (emb, logp)

# --- scband reference (transcript-rebuilt; emitter-appended) ---
"""Pipeline reference for scband-mol-gnn-11905649344551 (READ-ONLY COPY).

The authoritative reference and input builder live on the scoring server;
editing this copy changes nothing except your own understanding.
"""

import jax, jax.numpy as jnp
import numpy as np

N = 10000
E = 320000
D_IN = 128
H = 128
C = 10
G = 100
NUM_LAYERS = 3


def setup_inputs(seed: int = 0) -> dict:
    key = jax.random.key(seed)
    ks = jax.random.split(key, 12)
    sc = 0.05
    inp = {}
    inp['x'] = jax.random.normal(ks[0], (N, D_IN), dtype=jnp.float32)
    inp['edge_index'] = jax.random.randint(ks[1], (2, E), 0, N)
    inp['batch'] = jnp.sort(jax.random.randint(ks[2], (N,), 0, G))
    inp['ptr'] = jnp.arange(G + 1)
    inp['centrality'] = jnp.arange(N)
    inp['W_init'] = jax.random.normal(ks[3], (D_IN, H), dtype=jnp.float32) * sc
    inp['b_init'] = jnp.zeros((H,), dtype=jnp.float32)
    inp['W0'] = jax.random.normal(ks[4], (H, H), dtype=jnp.float32) * sc
    inp['b0'] = jnp.zeros((H,), dtype=jnp.float32)
    inp['W1'] = jax.random.normal(ks[5], (H, H), dtype=jnp.float32) * sc
    inp['b1'] = jnp.zeros((H,), dtype=jnp.float32)
    inp['W2'] = jax.random.normal(ks[6], (H, H), dtype=jnp.float32) * sc
    inp['b2'] = jnp.zeros((H,), dtype=jnp.float32)
    inp['ln0_g'] = jnp.ones((H,), dtype=jnp.float32)
    inp['ln0_b'] = jnp.zeros((H,), dtype=jnp.float32)
    inp['ln1_g'] = jnp.ones((H,), dtype=jnp.float32)
    inp['ln1_b'] = jnp.zeros((H,), dtype=jnp.float32)
    inp['W_cls'] = jax.random.normal(ks[7], (H, C), dtype=jnp.float32) * sc
    inp['b_cls'] = jnp.zeros((C,), dtype=jnp.float32)
    return inp


def _gcn_conv(x, edge_index, W, b):
    # GCNConv: symmetric-normalized aggregation with self-loops
    n = x.shape[0]
    xw = x @ W
    loop = jnp.arange(n)
    row = jnp.concatenate([edge_index[0], loop])
    col = jnp.concatenate([edge_index[1], loop])
    deg = jax.ops.segment_sum(jnp.ones(row.shape[0], dtype=xw.dtype), col, num_segments=n)
    dinv = jnp.where(deg > 0, 1.0 / jnp.sqrt(deg), 0.0)
    norm = dinv[row] * dinv[col]
    msg = xw[row] * norm[:, None]
    out = jax.ops.segment_sum(msg, col, num_segments=n)
    return out + b


def _layer_norm(x, g, b, eps=1e-5):
    m = jnp.mean(x, axis=-1, keepdims=True)
    v = jnp.var(x, axis=-1, keepdims=True)
    return (x - m) / jnp.sqrt(v + eps) * g + b


def reference(x, edge_index, batch, ptr, centrality, W_init, b_init, W0, b0, W1, b1, W2, b2, ln0_g, ln0_b, ln1_g, ln1_b, W_cls, b_cls):
    x = x @ W_init + b_init
    edge_batch = batch[edge_index[0]]  # computed in original forward (gather)
    node_counts = jnp.bincount(batch, length=G)
    Ws = [(W0, b0), (W1, b1), (W2, b2)]
    lns = [(ln0_g, ln0_b), (ln1_g, ln1_b)]
    for i in range(NUM_LAYERS):
        x = _gcn_conv(x, edge_index, Ws[i][0], Ws[i][1])
        if i != NUM_LAYERS - 1:
            x = jax.nn.relu(x)
            x = _layer_norm(x, lns[i][0], lns[i][1])
            # F.dropout with p=0.0 is identity
        # batch_frac == 0 -> async_update path skipped
    sums = jax.ops.segment_sum(x, batch, num_segments=G)
    counts = jnp.maximum(node_counts, 1).astype(x.dtype)
    x = sums / counts[:, None]  # global_mean_pool
    x = x @ W_cls + b_cls
    embedding = x
    logp = jax.nn.log_softmax(x, axis=1)
    return (embedding, logp)

if __name__ == "__main__":
    import jax
    _d = setup_inputs()
    print(jax.jit(kernel)(*tuple(_d.values())))

</pallas_src>

<mosaic_0001>
#map = affine_map<(d0, d1) -> (0, 0)>
#map1 = affine_map<(d0, d1) -> (0, 0, 0)>
module attributes {stable_mosaic.version = 14 : i64} {
  func.func @_sc_degree(%arg0: i32, %arg1: i32, %arg2: memref<2560x125xi32, #tpu.memory_space<hbm>>, %arg3: memref<640x128xf32, #tpu.memory_space<hbm>>, %arg4: memref<125x128xf32, #tpu.memory_space<hbm>>, %arg5: memref<2x10240x128xf32, #tpu.memory_space<hbm>>, %arg6: memref<80x125xi32, #tpu.memory_space<vmem>>, %arg7: memref<125x128xf32, #tpu.memory_space<vmem>>, %arg8: memref<10240x128xf32, #tpu.memory_space<vmem_shared>>) attributes {dimension_semantics = [#tpu.dimension_semantics<core_parallel>, #tpu.dimension_semantics<subcore_parallel>], iteration_bounds = array<i64: 2, 16>, scalar_prefetch = 0 : i64, scratch_operands = 3 : i64, tpu.core_type = #tpu.core_type<sc_vector_subcore>, window_params = [{transform_indices = #map}, {transform_indices = #map}, {transform_indices = #map}, {transform_indices = #map1}]} {
    %mul3A = arith.constant 16 : i32
    %mul3A_0 = arith.muli %arg0, %mul3A : i32
    %add3A = arith.addi %mul3A_0, %arg1 : i32
    %mul3A_1 = arith.constant 640 : i32
    %mul3A_2 = arith.muli %arg1, %mul3A_1 : i32
    "tpu.region"() ({
      %run_scoped3A = tpu.sem_alloc : memref<!tpu.dma_semaphore, #tpu.memory_space<semaphore_mem>>
      %dma_start3A = arith.constant 0 : i32
      %dma_start3A_15 = tpu.memref_slice %arg8[%mul3A_2, %dma_start3A] : memref<10240x128xf32, #tpu.memory_space<vmem_shared>> -> memref<640x128xf32, #tpu.memory_space<vmem_shared>>
      tpu.enqueue_dma source(%arg3 : memref<640x128xf32, #tpu.memory_space<hbm>>) target(%dma_start3A_15 : memref<640x128xf32, #tpu.memory_space<vmem_shared>>) target_semaphore(%run_scoped3A : memref<!tpu.dma_semaphore, #tpu.memory_space<semaphore_mem>>)
      %dma_wait3A = arith.constant 0 : i32
      %dma_wait3A_16 = tpu.memref_slice %arg8[%mul3A_2, %dma_wait3A] : memref<10240x128xf32, #tpu.memory_space<vmem_shared>> -> memref<640x128xf32, #tpu.memory_space<vmem_shared>>
      tpu.wait_dma2 semaphore(%run_scoped3A : memref<!tpu.dma_semaphore, #tpu.memory_space<semaphore_mem>>) src(%arg3 : memref<640x128xf32, #tpu.memory_space<hbm>>) dst(%dma_wait3A_16 : memref<640x128xf32, #tpu.memory_space<vmem_shared>>)
      tpu.yield
    }) : () -> ()
    %mul3A_3 = arith.constant 80 : i32
    %mul3A_4 = arith.muli %add3A, %mul3A_3 : i32
    "tpu.region"() ({
      %run_scoped3A = tpu.sem_alloc : memref<!tpu.dma_semaphore, #tpu.memory_space<semaphore_mem>>
      %dma_start3A = arith.constant 0 : i32
      %dma_start3A_15 = tpu.memref_slice %arg2[%mul3A_4, %dma_start3A] : memref<2560x125xi32, #tpu.memory_space<hbm>> -> memref<80x125xi32, #tpu.memory_space<hbm>>
      %dma_start3A_16 = arith.constant 0 : i32
      %dma_start3A_17 = tpu.memref_slice %arg2[%mul3A_4, %dma_start3A_16] : memref<2560x125xi32, #tpu.memory_space<hbm>> -> memref<80x125xi32, #tpu.memory_space<hbm>>
      tpu.enqueue_dma source(%dma_start3A_17 : memref<80x125xi32, #tpu.memory_space<hbm>>) target(%arg6 : memref<80x125xi32, #tpu.memory_space<vmem>>) target_semaphore(%run_scoped3A : memref<!tpu.dma_semaphore, #tpu.memory_space<semaphore_mem>>)
      %dma_wait3A = arith.constant 0 : i32
      %dma_wait3A_18 = tpu.memref_slice %arg2[%mul3A_4, %dma_wait3A] : memref<2560x125xi32, #tpu.memory_space<hbm>> -> memref<80x125xi32, #tpu.memory_space<hbm>>
      %dma_wait3A_19 = arith.constant 0 : i32
      %dma_wait3A_20 = tpu.memref_slice %arg2[%mul3A_4, %dma_wait3A_19] : memref<2560x125xi32, #tpu.memory_space<hbm>> -> memref<80x125xi32, #tpu.memory_space<hbm>>
      tpu.wait_dma2 semaphore(%run_scoped3A : memref<!tpu.dma_semaphore, #tpu.memory_space<semaphore_mem>>) src(%dma_wait3A_20 : memref<80x125xi32, #tpu.memory_space<hbm>>) dst(%arg6 : memref<80x125xi32, #tpu.memory_space<vmem>>)
      tpu.yield
    }) : () -> ()
    "tpu.region"() ({
      %run_scoped3A = tpu.sem_alloc : memref<!tpu.dma_semaphore, #tpu.memory_space<semaphore_mem>>
      tpu.enqueue_dma source(%arg4 : memref<125x128xf32, #tpu.memory_space<hbm>>) target(%arg7 : memref<125x128xf32, #tpu.memory_space<vmem>>) target_semaphore(%run_scoped3A : memref<!tpu.dma_semaphore, #tpu.memory_space<semaphore_mem>>)
      tpu.wait_dma2 semaphore(%run_scoped3A : memref<!tpu.dma_semaphore, #tpu.memory_space<semaphore_mem>>) src(%arg4 : memref<125x128xf32, #tpu.memory_space<hbm>>) dst(%arg7 : memref<125x128xf32, #tpu.memory_space<vmem>>)
      tpu.yield
    }) : () -> ()
    %barrier3A = arith.constant 0 : index
    tpu.barrier barrier_id(%barrier3A)
    %scan3A = arith.constant 0 : i32
    %scan3A_5 = arith.constant 0 : i32
    %scan3A_6 = arith.constant 80 : i32
    %scan3A_7 = arith.addi %scan3A_5, %scan3A_6 : i32
    %scan3A_8 = arith.constant 1 : i32
    scf.for %scan3A_15 = %scan3A_5 to %scan3A_7 step %scan3A_8  : i32 {
      "tpu.region"() ({
        %run_scoped3A = tpu.sem_alloc : memref<!tpu.dma_semaphore, #tpu.memory_space<semaphore_mem>>
        %dma_start3A = arith.constant 0 : i32
        %dma_start3A_16 = tpu.memref_slice %arg6[%scan3A_15, %dma_start3A] : memref<80x125xi32, #tpu.memory_space<vmem>> -> memref<1x125xi32, #tpu.memory_space<vmem>>
        %dma_start3A_17 = tpu.memref_squeeze %dma_start3A_16 : memref<1x125xi32, #tpu.memory_space<vmem>> -> memref<125xi32, #tpu.memory_space<vmem>>
        %dma_start3A_18 = arith.constant 0 : i32
        %dma_start3A_19 = arith.constant 0 : i32
        %dma_start3A_20 = tpu.memref_slice %arg8[%dma_start3A_18, %dma_start3A_19] : memref<10240x128xf32, #tpu.memory_space<vmem_shared>> -> memref<10240x128xf32, #tpu.memory_space<vmem_shared>>
        tpu.enqueue_indirect_dma source(%arg7 : memref<125x128xf32, #tpu.memory_space<vmem>>) target(%dma_start3A_20 : memref<10240x128xf32, #tpu.memory_space<vmem_shared>>) offsets(%dma_start3A_17 : memref<125xi32, #tpu.memory_space<vmem>>) semaphore(%run_scoped3A : memref<!tpu.dma_semaphore, #tpu.memory_space<semaphore_mem>>) {add = true}
        %dma_wait3A = arith.constant 0 : i32
        %dma_wait3A_21 = tpu.memref_slice %arg6[%scan3A_15, %dma_wait3A] : memref<80x125xi32, #tpu.memory_space<vmem>> -> memref<1x125xi32, #tpu.memory_space<vmem>>
        %dma_wait3A_22 = tpu.memref_squeeze %dma_wait3A_21 : memref<1x125xi32, #tpu.memory_space<vmem>> -> memref<125xi32, #tpu.memory_space<vmem>>
        %dma_wait3A_23 = arith.constant 0 : i32
        %dma_wait3A_24 = arith.constant 0 : i32
        %dma_wait3A_25 = tpu.memref_slice %arg8[%dma_wait3A_23, %dma_wait3A_24] : memref<10240x128xf32, #tpu.memory_space<vmem_shared>> -> memref<10240x128xf32, #tpu.memory_space<vmem_shared>>
        tpu.wait_indirect_dma semaphore(%run_scoped3A : memref<!tpu.dma_semaphore, #tpu.memory_space<semaphore_mem>>) src(%arg7 : memref<125x128xf32, #tpu.memory_space<vmem>>) dst(%dma_wait3A_25 : memref<10240x128xf32, #tpu.memory_space<vmem_shared>>)
        tpu.yield
      }) : () -> ()
    }
    %scan3A_9 = arith.constant 80 : i32
    %barrier3A_10 = arith.constant 0 : index
    tpu.barrier barrier_id(%barrier3A_10)
    %mul3A_11 = arith.constant 640 : i32
    %mul3A_12 = arith.muli %arg1, %mul3A_11 : i32
    %mul3A_13 = arith.constant 640 : i32
    %mul3A_14 = arith.muli %arg1, %mul3A_13 : i32
    "tpu.region"() ({
      %run_scoped3A = tpu.sem_alloc : memref<!tpu.dma_semaphore, #tpu.memory_space<semaphore_mem>>
      %dma_start3A = arith.constant 0 : i32
      %dma_start3A_15 = tpu.memref_slice %arg5[%arg0, %mul3A_14, %dma_start3A] : memref<2x10240x128xf32, #tpu.memory_space<hbm>> -> memref<1x640x128xf32, #tpu.memory_space<hbm>>
      %dma_start3A_16 = tpu.memref_squeeze %dma_start3A_15 : memref<1x640x128xf32, #tpu.memory_space<hbm>> -> memref<640x128xf32, #tpu.memory_space<hbm>>
      %dma_start3A_17 = arith.constant 0 : i32
      %dma_start3A_18 = tpu.memref_slice %arg8[%mul3A_12, %dma_start3A_17] : memref<10240x128xf32, #tpu.memory_space<vmem_shared>> -> memref<640x128xf32, #tpu.memory_space<vmem_shared>>
      tpu.enqueue_dma source(%dma_start3A_18 : memref<640x128xf32, #tpu.memory_space<vmem_shared>>) target(%dma_start3A_16 : memref<640x128xf32, #tpu.memory_space<hbm>>) target_semaphore(%run_scoped3A : memref<!tpu.dma_semaphore, #tpu.memory_space<semaphore_mem>>)
      %dma_wait3A = arith.constant 0 : i32
      %dma_wait3A_19 = tpu.memref_slice %arg5[%arg0, %mul3A_14, %dma_wait3A] : memref<2x10240x128xf32, #tpu.memory_space<hbm>> -> memref<1x640x128xf32, #tpu.memory_space<hbm>>
      %dma_wait3A_20 = tpu.memref_squeeze %dma_wait3A_19 : memref<1x640x128xf32, #tpu.memory_space<hbm>> -> memref<640x128xf32, #tpu.memory_space<hbm>>
      %dma_wait3A_21 = arith.constant 0 : i32
      %dma_wait3A_22 = tpu.memref_slice %arg8[%mul3A_12, %dma_wait3A_21] : memref<10240x128xf32, #tpu.memory_space<vmem_shared>> -> memref<640x128xf32, #tpu.memory_space<vmem_shared>>
      tpu.wait_dma2 semaphore(%run_scoped3A : memref<!tpu.dma_semaphore, #tpu.memory_space<semaphore_mem>>) src(%dma_wait3A_22 : memref<640x128xf32, #tpu.memory_space<vmem_shared>>) dst(%dma_wait3A_20 : memref<640x128xf32, #tpu.memory_space<hbm>>)
      tpu.yield
    }) : () -> ()
    return
  }
}

#map = affine_map<(d0, d1) -> (0, 0)>
#map1 = affine_map<(d0, d1) -> (0, 0, 0)>
module attributes {stable_mosaic.version = 14 : i64} {
  func.func @_sc_scatter(%arg0: i32, %arg1: i32, %arg2: memref<10000x128xf32, #tpu.memory_space<hbm>>, %arg3: memref<2560x125xi32, #tpu.memory_space<hbm>>, %arg4: memref<2560x125xi32, #tpu.memory_space<hbm>>, %arg5: memref<640x128xf32, #tpu.memory_space<hbm>>, %arg6: memref<2x10240x128xf32, #tpu.memory_space<hbm>>, %arg7: memref<80x125xi32, #tpu.memory_space<vmem>>, %arg8: memref<80x125xi32, #tpu.memory_space<vmem>>, %arg9: memref<125x128xf32, #tpu.memory_space<vmem>>, %arg10: memref<10240x128xf32, #tpu.memory_space<vmem_shared>>, %arg11: memref<!tpu.dma_semaphore, #tpu.memory_space<semaphore_mem>>) attributes {dimension_semantics = [#tpu.dimension_semantics<core_parallel>, #tpu.dimension_semantics<subcore_parallel>], iteration_bounds = array<i64: 2, 16>, scalar_prefetch = 0 : i64, scratch_operands = 5 : i64, tpu.core_type = #tpu.core_type<sc_vector_subcore>, window_params = [{transform_indices = #map}, {transform_indices = #map}, {transform_indices = #map}, {transform_indices = #map}, {transform_indices = #map1}]} {
    %mul3A = arith.constant 16 : i32
    %mul3A_0 = arith.muli %arg0, %mul3A : i32
    %add3A = arith.addi %mul3A_0, %arg1 : i32
    %mul3A_1 = arith.constant 640 : i32
    %mul3A_2 = arith.muli %arg1, %mul3A_1 : i32
    "tpu.region"() ({
      %run_scoped3A = tpu.sem_alloc : memref<!tpu.dma_semaphore, #tpu.memory_space<semaphore_mem>>
      %dma_start3A = arith.constant 0 : i32
      %dma_start3A_17 = tpu.memref_slice %arg10[%mul3A_2, %dma_start3A] : memref<10240x128xf32, #tpu.memory_space<vmem_shared>> -> memref<640x128xf32, #tpu.memory_space<vmem_shared>>
      tpu.enqueue_dma source(%arg5 : memref<640x128xf32, #tpu.memory_space<hbm>>) target(%dma_start3A_17 : memref<640x128xf32, #tpu.memory_space<vmem_shared>>) target_semaphore(%run_scoped3A : memref<!tpu.dma_semaphore, #tpu.memory_space<semaphore_mem>>)
      %dma_wait3A = arith.constant 0 : i32
      %dma_wait3A_18 = tpu.memref_slice %arg10[%mul3A_2, %dma_wait3A] : memref<10240x128xf32, #tpu.memory_space<vmem_shared>> -> memref<640x128xf32, #tpu.memory_space<vmem_shared>>
      tpu.wait_dma2 semaphore(%run_scoped3A : memref<!tpu.dma_semaphore, #tpu.memory_space<semaphore_mem>>) src(%arg5 : memref<640x128xf32, #tpu.memory_space<hbm>>) dst(%dma_wait3A_18 : memref<640x128xf32, #tpu.memory_space<vmem_shared>>)
      tpu.yield
    }) : () -> ()
    %mul3A_3 = arith.constant 80 : i32
    %mul3A_4 = arith.muli %add3A, %mul3A_3 : i32
    "tpu.region"() ({
      %run_scoped3A = tpu.sem_alloc : memref<!tpu.dma_semaphore, #tpu.memory_space<semaphore_mem>>
      %dma_start3A = arith.constant 0 : i32
      %dma_start3A_17 = tpu.memref_slice %arg3[%mul3A_4, %dma_start3A] : memref<2560x125xi32, #tpu.memory_space<hbm>> -> memref<80x125xi32, #tpu.memory_space<hbm>>
      %dma_start3A_18 = arith.constant 0 : i32
      %dma_start3A_19 = tpu.memref_slice %arg3[%mul3A_4, %dma_start3A_18] : memref<2560x125xi32, #tpu.memory_space<hbm>> -> memref<80x125xi32, #tpu.memory_space<hbm>>
      tpu.enqueue_dma source(%dma_start3A_19 : memref<80x125xi32, #tpu.memory_space<hbm>>) target(%arg7 : memref<80x125xi32, #tpu.memory_space<vmem>>) target_semaphore(%run_scoped3A : memref<!tpu.dma_semaphore, #tpu.memory_space<semaphore_mem>>)
      %dma_wait3A = arith.constant 0 : i32
      %dma_wait3A_20 = tpu.memref_slice %arg3[%mul3A_4, %dma_wait3A] : memref<2560x125xi32, #tpu.memory_space<hbm>> -> memref<80x125xi32, #tpu.memory_space<hbm>>
      %dma_wait3A_21 = arith.constant 0 : i32
      %dma_wait3A_22 = tpu.memref_slice %arg3[%mul3A_4, %dma_wait3A_21] : memref<2560x125xi32, #tpu.memory_space<hbm>> -> memref<80x125xi32, #tpu.memory_space<hbm>>
      tpu.wait_dma2 semaphore(%run_scoped3A : memref<!tpu.dma_semaphore, #tpu.memory_space<semaphore_mem>>) src(%dma_wait3A_22 : memref<80x125xi32, #tpu.memory_space<hbm>>) dst(%arg7 : memref<80x125xi32, #tpu.memory_space<vmem>>)
      tpu.yield
    }) : () -> ()
    %mul3A_5 = arith.constant 80 : i32
    %mul3A_6 = arith.muli %add3A, %mul3A_5 : i32
    "tpu.region"() ({
      %run_scoped3A = tpu.sem_alloc : memref<!tpu.dma_semaphore, #tpu.memory_space<semaphore_mem>>
      %dma_start3A = arith.constant 0 : i32
      %dma_start3A_17 = tpu.memref_slice %arg4[%mul3A_6, %dma_start3A] : memref<2560x125xi32, #tpu.memory_space<hbm>> -> memref<80x125xi32, #tpu.memory_space<hbm>>
      %dma_start3A_18 = arith.constant 0 : i32
      %dma_start3A_19 = tpu.memref_slice %arg4[%mul3A_6, %dma_start3A_18] : memref<2560x125xi32, #tpu.memory_space<hbm>> -> memref<80x125xi32, #tpu.memory_space<hbm>>
      tpu.enqueue_dma source(%dma_start3A_19 : memref<80x125xi32, #tpu.memory_space<hbm>>) target(%arg8 : memref<80x125xi32, #tpu.memory_space<vmem>>) target_semaphore(%run_scoped3A : memref<!tpu.dma_semaphore, #tpu.memory_space<semaphore_mem>>)
      %dma_wait3A = arith.constant 0 : i32
      %dma_wait3A_20 = tpu.memref_slice %arg4[%mul3A_6, %dma_wait3A] : memref<2560x125xi32, #tpu.memory_space<hbm>> -> memref<80x125xi32, #tpu.memory_space<hbm>>
      %dma_wait3A_21 = arith.constant 0 : i32
      %dma_wait3A_22 = tpu.memref_slice %arg4[%mul3A_6, %dma_wait3A_21] : memref<2560x125xi32, #tpu.memory_space<hbm>> -> memref<80x125xi32, #tpu.memory_space<hbm>>
      tpu.wait_dma2 semaphore(%run_scoped3A : memref<!tpu.dma_semaphore, #tpu.memory_space<semaphore_mem>>) src(%dma_wait3A_22 : memref<80x125xi32, #tpu.memory_space<hbm>>) dst(%arg8 : memref<80x125xi32, #tpu.memory_space<vmem>>)
      tpu.yield
    }) : () -> ()
    %barrier3A = arith.constant 0 : index
    tpu.barrier barrier_id(%barrier3A)
    %scan3A = arith.constant 0 : i32
    %scan3A_7 = arith.constant 0 : i32
    %scan3A_8 = arith.constant 80 : i32
    %scan3A_9 = arith.addi %scan3A_7, %scan3A_8 : i32
    %scan3A_10 = arith.constant 1 : i32
    scf.for %scan3A_17 = %scan3A_7 to %scan3A_9 step %scan3A_10  : i32 {
      %dma_start3A = arith.constant 0 : i32
      %dma_start3A_18 = tpu.memref_slice %arg7[%scan3A_17, %dma_start3A] : memref<80x125xi32, #tpu.memory_space<vmem>> -> memref<1x125xi32, #tpu.memory_space<vmem>>
      %dma_start3A_19 = tpu.memref_squeeze %dma_start3A_18 : memref<1x125xi32, #tpu.memory_space<vmem>> -> memref<125xi32, #tpu.memory_space<vmem>>
      %dma_start3A_20 = arith.constant 0 : i32
      %dma_start3A_21 = arith.constant 0 : i32
      %dma_start3A_22 = tpu.memref_slice %arg2[%dma_start3A_20, %dma_start3A_21] : memref<10000x128xf32, #tpu.memory_space<hbm>> -> memref<10000x128xf32, #tpu.memory_space<hbm>>
      tpu.enqueue_indirect_dma source(%dma_start3A_22 : memref<10000x128xf32, #tpu.memory_space<hbm>>) target(%arg9 : memref<125x128xf32, #tpu.memory_space<vmem>>) offsets(%dma_start3A_19 : memref<125xi32, #tpu.memory_space<vmem>>) semaphore(%arg11 : memref<!tpu.dma_semaphore, #tpu.memory_space<semaphore_mem>>)
      %dma_wait3A = arith.constant 0 : i32
      %dma_wait3A_23 = tpu.memref_slice %arg7[%scan3A_17, %dma_wait3A] : memref<80x125xi32, #tpu.memory_space<vmem>> -> memref<1x125xi32, #tpu.memory_space<vmem>>
      %dma_wait3A_24 = tpu.memref_squeeze %dma_wait3A_23 : memref<1x125xi32, #tpu.memory_space<vmem>> -> memref<125xi32, #tpu.memory_space<vmem>>
      %dma_wait3A_25 = arith.constant 0 : i32
      %dma_wait3A_26 = arith.constant 0 : i32
      %dma_wait3A_27 = tpu.memref_slice %arg2[%dma_wait3A_25, %dma_wait3A_26] : memref<10000x128xf32, #tpu.memory_space<hbm>> -> memref<10000x128xf32, #tpu.memory_space<hbm>>
      tpu.wait_indirect_dma semaphore(%arg11 : memref<!tpu.dma_semaphore, #tpu.memory_space<semaphore_mem>>) src(%dma_wait3A_27 : memref<10000x128xf32, #tpu.memory_space<hbm>>) dst(%arg9 : memref<125x128xf32, #tpu.memory_space<vmem>>)
      "tpu.region"() ({
        %run_scoped3A = tpu.sem_alloc : memref<!tpu.dma_semaphore, #tpu.memory_space<semaphore_mem>>
        %dma_start3A_28 = arith.constant 0 : i32
        %dma_start3A_29 = tpu.memref_slice %arg8[%scan3A_17, %dma_start3A_28] : memref<80x125xi32, #tpu.memory_space<vmem>> -> memref<1x125xi32, #tpu.memory_space<vmem>>
        %dma_start3A_30 = tpu.memref_squeeze %dma_start3A_29 : memref<1x125xi32, #tpu.memory_space<vmem>> -> memref<125xi32, #tpu.memory_space<vmem>>
        %dma_start3A_31 = arith.constant 0 : i32
        %dma_start3A_32 = arith.constant 0 : i32
        %dma_start3A_33 = tpu.memref_slice %arg10[%dma_start3A_31, %dma_start3A_32] : memref<10240x128xf32, #tpu.memory_space<vmem_shared>> -> memref<10240x128xf32, #tpu.memory_space<vmem_shared>>
        tpu.enqueue_indirect_dma source(%arg9 : memref<125x128xf32, #tpu.memory_space<vmem>>) target(%dma_start3A_33 : memref<10240x128xf32, #tpu.memory_space<vmem_shared>>) offsets(%dma_start3A_30 : memref<125xi32, #tpu.memory_space<vmem>>) semaphore(%run_scoped3A : memref<!tpu.dma_semaphore, #tpu.memory_space<semaphore_mem>>) {add = true}
        %dma_wait3A_34 = arith.constant 0 : i32
        %dma_wait3A_35 = tpu.memref_slice %arg8[%scan3A_17, %dma_wait3A_34] : memref<80x125xi32, #tpu.memory_space<vmem>> -> memref<1x125xi32, #tpu.memory_space<vmem>>
        %dma_wait3A_36 = tpu.memref_squeeze %dma_wait3A_35 : memref<1x125xi32, #tpu.memory_space<vmem>> -> memref<125xi32, #tpu.memory_space<vmem>>
        %dma_wait3A_37 = arith.constant 0 : i32
        %dma_wait3A_38 = arith.constant 0 : i32
        %dma_wait3A_39 = tpu.memref_slice %arg10[%dma_wait3A_37, %dma_wait3A_38] : memref<10240x128xf32, #tpu.memory_space<vmem_shared>> -> memref<10240x128xf32, #tpu.memory_space<vmem_shared>>
        tpu.wait_indirect_dma semaphore(%run_scoped3A : memref<!tpu.dma_semaphore, #tpu.memory_space<semaphore_mem>>) src(%arg9 : memref<125x128xf32, #tpu.memory_space<vmem>>) dst(%dma_wait3A_39 : memref<10240x128xf32, #tpu.memory_space<vmem_shared>>)
        tpu.yield
      }) : () -> ()
    }
    %scan3A_11 = arith.constant 80 : i32
    %barrier3A_12 = arith.constant 0 : index
    tpu.barrier barrier_id(%barrier3A_12)
    %mul3A_13 = arith.constant 640 : i32
    %mul3A_14 = arith.muli %arg1, %mul3A_13 : i32
    %mul3A_15 = arith.constant 640 : i32
    %mul3A_16 = arith.muli %arg1, %mul3A_15 : i32
    "tpu.region"() ({
      %run_scoped3A = tpu.sem_alloc : memref<!tpu.dma_semaphore, #tpu.memory_space<semaphore_mem>>
      %dma_start3A = arith.constant 0 : i32
      %dma_start3A_17 = tpu.memref_slice %arg6[%arg0, %mul3A_16, %dma_start3A] : memref<2x10240x128xf32, #tpu.memory_space<hbm>> -> memref<1x640x128xf32, #tpu.memory_space<hbm>>
      %dma_start3A_18 = tpu.memref_squeeze %dma_start3A_17 : memref<1x640x128xf32, #tpu.memory_space<hbm>> -> memref<640x128xf32, #tpu.memory_space<hbm>>
      %dma_start3A_19 = arith.constant 0 : i32
      %dma_start3A_20 = tpu.memref_slice %arg10[%mul3A_14, %dma_start3A_19] : memref<10240x128xf32, #tpu.memory_space<vmem_shared>> -> memref<640x128xf32, #tpu.memory_space<vmem_shared>>
      tpu.enqueue_dma source(%dma_start3A_20 : memref<640x128xf32, #tpu.memory_space<vmem_shared>>) target(%dma_start3A_18 : memref<640x128xf32, #tpu.memory_space<hbm>>) target_semaphore(%run_scoped3A : memref<!tpu.dma_semaphore, #tpu.memory_space<semaphore_mem>>)
      %dma_wait3A = arith.constant 0 : i32
      %dma_wait3A_21 = tpu.memref_slice %arg6[%arg0, %mul3A_16, %dma_wait3A] : memref<2x10240x128xf32, #tpu.memory_space<hbm>> -> memref<1x640x128xf32, #tpu.memory_space<hbm>>
      %dma_wait3A_22 = tpu.memref_squeeze %dma_wait3A_21 : memref<1x640x128xf32, #tpu.memory_space<hbm>> -> memref<640x128xf32, #tpu.memory_space<hbm>>
      %dma_wait3A_23 = arith.constant 0 : i32
      %dma_wait3A_24 = tpu.memref_slice %arg10[%mul3A_14, %dma_wait3A_23] : memref<10240x128xf32, #tpu.memory_space<vmem_shared>> -> memref<640x128xf32, #tpu.memory_space<vmem_shared>>
      tpu.wait_dma2 semaphore(%run_scoped3A : memref<!tpu.dma_semaphore, #tpu.memory_space<semaphore_mem>>) src(%dma_wait3A_24 : memref<640x128xf32, #tpu.memory_space<vmem_shared>>) dst(%dma_wait3A_22 : memref<640x128xf32, #tpu.memory_space<hbm>>)
      tpu.yield
    }) : () -> ()
    return
  }
}

#map = affine_map<(d0, d1) -> (0, 0)>
#map1 = affine_map<(d0, d1) -> (0, 0, 0)>
module attributes {stable_mosaic.version = 14 : i64} {
  func.func @_sc_scatter(%arg0: i32, %arg1: i32, %arg2: memref<10000x128xf32, #tpu.memory_space<hbm>>, %arg3: memref<2560x125xi32, #tpu.memory_space<hbm>>, %arg4: memref<2560x125xi32, #tpu.memory_space<hbm>>, %arg5: memref<640x128xf32, #tpu.memory_space<hbm>>, %arg6: memref<2x10240x128xf32, #tpu.memory_space<hbm>>, %arg7: memref<80x125xi32, #tpu.memory_space<vmem>>, %arg8: memref<80x125xi32, #tpu.memory_space<vmem>>, %arg9: memref<125x128xf32, #tpu.memory_space<vmem>>, %arg10: memref<10240x128xf32, #tpu.memory_space<vmem_shared>>, %arg11: memref<!tpu.dma_semaphore, #tpu.memory_space<semaphore_mem>>) attributes {dimension_semantics = [#tpu.dimension_semantics<core_parallel>, #tpu.dimension_semantics<subcore_parallel>], iteration_bounds = array<i64: 2, 16>, scalar_prefetch = 0 : i64, scratch_operands = 5 : i64, tpu.core_type = #tpu.core_type<sc_vector_subcore>, window_params = [{transform_indices = #map}, {transform_indices = #map}, {transform_indices = #map}, {transform_indices = #map}, {transform_indices = #map1}]} {
    %mul3A = arith.constant 16 : i32
    %mul3A_0 = arith.muli %arg0, %mul3A : i32
    %add3A = arith.addi %mul3A_0, %arg1 : i32
    %mul3A_1 = arith.constant 640 : i32
    %mul3A_2 = arith.muli %arg1, %mul3A_1 : i32
    "tpu.region"() ({
      %run_scoped3A = tpu.sem_alloc : memref<!tpu.dma_semaphore, #tpu.memory_space<semaphore_mem>>
      %dma_start3A = arith.constant 0 : i32
      %dma_start3A_17 = tpu.memref_slice %arg10[%mul3A_2, %dma_start3A] : memref<10240x128xf32, #tpu.memory_space<vmem_shared>> -> memref<640x128xf32, #tpu.memory_space<vmem_shared>>
      tpu.enqueue_dma source(%arg5 : memref<640x128xf32, #tpu.memory_space<hbm>>) target(%dma_start3A_17 : memref<640x128xf32, #tpu.memory_space<vmem_shared>>) target_semaphore(%run_scoped3A : memref<!tpu.dma_semaphore, #tpu.memory_space<semaphore_mem>>)
      %dma_wait3A = arith.constant 0 : i32
      %dma_wait3A_18 = tpu.memref_slice %arg10[%mul3A_2, %dma_wait3A] : memref<10240x128xf32, #tpu.memory_space<vmem_shared>> -> memref<640x128xf32, #tpu.memory_space<vmem_shared>>
      tpu.wait_dma2 semaphore(%run_scoped3A : memref<!tpu.dma_semaphore, #tpu.memory_space<semaphore_mem>>) src(%arg5 : memref<640x128xf32, #tpu.memory_space<hbm>>) dst(%dma_wait3A_18 : memref<640x128xf32, #tpu.memory_space<vmem_shared>>)
      tpu.yield
    }) : () -> ()
    %mul3A_3 = arith.constant 80 : i32
    %mul3A_4 = arith.muli %add3A, %mul3A_3 : i32
    "tpu.region"() ({
      %run_scoped3A = tpu.sem_alloc : memref<!tpu.dma_semaphore, #tpu.memory_space<semaphore_mem>>
      %dma_start3A = arith.constant 0 : i32
      %dma_start3A_17 = tpu.memref_slice %arg3[%mul3A_4, %dma_start3A] : memref<2560x125xi32, #tpu.memory_space<hbm>> -> memref<80x125xi32, #tpu.memory_space<hbm>>
      %dma_start3A_18 = arith.constant 0 : i32
      %dma_start3A_19 = tpu.memref_slice %arg3[%mul3A_4, %dma_start3A_18] : memref<2560x125xi32, #tpu.memory_space<hbm>> -> memref<80x125xi32, #tpu.memory_space<hbm>>
      tpu.enqueue_dma source(%dma_start3A_19 : memref<80x125xi32, #tpu.memory_space<hbm>>) target(%arg7 : memref<80x125xi32, #tpu.memory_space<vmem>>) target_semaphore(%run_scoped3A : memref<!tpu.dma_semaphore, #tpu.memory_space<semaphore_mem>>)
      %dma_wait3A = arith.constant 0 : i32
      %dma_wait3A_20 = tpu.memref_slice %arg3[%mul3A_4, %dma_wait3A] : memref<2560x125xi32, #tpu.memory_space<hbm>> -> memref<80x125xi32, #tpu.memory_space<hbm>>
      %dma_wait3A_21 = arith.constant 0 : i32
      %dma_wait3A_22 = tpu.memref_slice %arg3[%mul3A_4, %dma_wait3A_21] : memref<2560x125xi32, #tpu.memory_space<hbm>> -> memref<80x125xi32, #tpu.memory_space<hbm>>
      tpu.wait_dma2 semaphore(%run_scoped3A : memref<!tpu.dma_semaphore, #tpu.memory_space<semaphore_mem>>) src(%dma_wait3A_22 : memref<80x125xi32, #tpu.memory_space<hbm>>) dst(%arg7 : memref<80x125xi32, #tpu.memory_space<vmem>>)
      tpu.yield
    }) : () -> ()
    %mul3A_5 = arith.constant 80 : i32
    %mul3A_6 = arith.muli %add3A, %mul3A_5 : i32
    "tpu.region"() ({
      %run_scoped3A = tpu.sem_alloc : memref<!tpu.dma_semaphore, #tpu.memory_space<semaphore_mem>>
      %dma_start3A = arith.constant 0 : i32
      %dma_start3A_17 = tpu.memref_slice %arg4[%mul3A_6, %dma_start3A] : memref<2560x125xi32, #tpu.memory_space<hbm>> -> memref<80x125xi32, #tpu.memory_space<hbm>>
      %dma_start3A_18 = arith.constant 0 : i32
      %dma_start3A_19 = tpu.memref_slice %arg4[%mul3A_6, %dma_start3A_18] : memref<2560x125xi32, #tpu.memory_space<hbm>> -> memref<80x125xi32, #tpu.memory_space<hbm>>
      tpu.enqueue_dma source(%dma_start3A_19 : memref<80x125xi32, #tpu.memory_space<hbm>>) target(%arg8 : memref<80x125xi32, #tpu.memory_space<vmem>>) target_semaphore(%run_scoped3A : memref<!tpu.dma_semaphore, #tpu.memory_space<semaphore_mem>>)
      %dma_wait3A = arith.constant 0 : i32
      %dma_wait3A_20 = tpu.memref_slice %arg4[%mul3A_6, %dma_wait3A] : memref<2560x125xi32, #tpu.memory_space<hbm>> -> memref<80x125xi32, #tpu.memory_space<hbm>>
      %dma_wait3A_21 = arith.constant 0 : i32
      %dma_wait3A_22 = tpu.memref_slice %arg4[%mul3A_6, %dma_wait3A_21] : memref<2560x125xi32, #tpu.memory_space<hbm>> -> memref<80x125xi32, #tpu.memory_space<hbm>>
      tpu.wait_dma2 semaphore(%run_scoped3A : memref<!tpu.dma_semaphore, #tpu.memory_space<semaphore_mem>>) src(%dma_wait3A_22 : memref<80x125xi32, #tpu.memory_space<hbm>>) dst(%arg8 : memref<80x125xi32, #tpu.memory_space<vmem>>)
      tpu.yield
    }) : () -> ()
    %barrier3A = arith.constant 0 : index
    tpu.barrier barrier_id(%barrier3A)
    %scan3A = arith.constant 0 : i32
    %scan3A_7 = arith.constant 0 : i32
    %scan3A_8 = arith.constant 80 : i32
    %scan3A_9 = arith.addi %scan3A_7, %scan3A_8 : i32
    %scan3A_10 = arith.constant 1 : i32
    scf.for %scan3A_17 = %scan3A_7 to %scan3A_9 step %scan3A_10  : i32 {
      %dma_start3A = arith.constant 0 : i32
      %dma_start3A_18 = tpu.memref_slice %arg7[%scan3A_17, %dma_start3A] : memref<80x125xi32, #tpu.memory_space<vmem>> -> memref<1x125xi32, #tpu.memory_space<vmem>>
      %dma_start3A_19 = tpu.memref_squeeze %dma_start3A_18 : memref<1x125xi32, #tpu.memory_space<vmem>> -> memref<125xi32, #tpu.memory_space<vmem>>
      %dma_start3A_20 = arith.constant 0 : i32
      %dma_start3A_21 = arith.constant 0 : i32
      %dma_start3A_22 = tpu.memref_slice %arg2[%dma_start3A_20, %dma_start3A_21] : memref<10000x128xf32, #tpu.memory_space<hbm>> -> memref<10000x128xf32, #tpu.memory_space<hbm>>
      tpu.enqueue_indirect_dma source(%dma_start3A_22 : memref<10000x128xf32, #tpu.memory_space<hbm>>) target(%arg9 : memref<125x128xf32, #tpu.memory_space<vmem>>) offsets(%dma_start3A_19 : memref<125xi32, #tpu.memory_space<vmem>>) semaphore(%arg11 : memref<!tpu.dma_semaphore, #tpu.memory_space<semaphore_mem>>)
      %dma_wait3A = arith.constant 0 : i32
      %dma_wait3A_23 = tpu.memref_slice %arg7[%scan3A_17, %dma_wait3A] : memref<80x125xi32, #tpu.memory_space<vmem>> -> memref<1x125xi32, #tpu.memory_space<vmem>>
      %dma_wait3A_24 = tpu.memref_squeeze %dma_wait3A_23 : memref<1x125xi32, #tpu.memory_space<vmem>> -> memref<125xi32, #tpu.memory_space<vmem>>
      %dma_wait3A_25 = arith.constant 0 : i32
      %dma_wait3A_26 = arith.constant 0 : i32
      %dma_wait3A_27 = tpu.memref_slice %arg2[%dma_wait3A_25, %dma_wait3A_26] : memref<10000x128xf32, #tpu.memory_space<hbm>> -> memref<10000x128xf32, #tpu.memory_space<hbm>>
      tpu.wait_indirect_dma semaphore(%arg11 : memref<!tpu.dma_semaphore, #tpu.memory_space<semaphore_mem>>) src(%dma_wait3A_27 : memref<10000x128xf32, #tpu.memory_space<hbm>>) dst(%arg9 : memref<125x128xf32, #tpu.memory_space<vmem>>)
      "tpu.region"() ({
        %run_scoped3A = tpu.sem_alloc : memref<!tpu.dma_semaphore, #tpu.memory_space<semaphore_mem>>
        %dma_start3A_28 = arith.constant 0 : i32
        %dma_start3A_29 = tpu.memref_slice %arg8[%scan3A_17, %dma_start3A_28] : memref<80x125xi32, #tpu.memory_space<vmem>> -> memref<1x125xi32, #tpu.memory_space<vmem>>
        %dma_start3A_30 = tpu.memref_squeeze %dma_start3A_29 : memref<1x125xi32, #tpu.memory_space<vmem>> -> memref<125xi32, #tpu.memory_space<vmem>>
        %dma_start3A_31 = arith.constant 0 : i32
        %dma_start3A_32 = arith.constant 0 : i32
        %dma_start3A_33 = tpu.memref_slice %arg10[%dma_start3A_31, %dma_start3A_32] : memref<10240x128xf32, #tpu.memory_space<vmem_shared>> -> memref<10240x128xf32, #tpu.memory_space<vmem_shared>>
        tpu.enqueue_indirect_dma source(%arg9 : memref<125x128xf32, #tpu.memory_space<vmem>>) target(%dma_start3A_33 : memref<10240x128xf32, #tpu.memory_space<vmem_shared>>) offsets(%dma_start3A_30 : memref<125xi32, #tpu.memory_space<vmem>>) semaphore(%run_scoped3A : memref<!tpu.dma_semaphore, #tpu.memory_space<semaphore_mem>>) {add = true}
        %dma_wait3A_34 = arith.constant 0 : i32
        %dma_wait3A_35 = tpu.memref_slice %arg8[%scan3A_17, %dma_wait3A_34] : memref<80x125xi32, #tpu.memory_space<vmem>> -> memref<1x125xi32, #tpu.memory_space<vmem>>
        %dma_wait3A_36 = tpu.memref_squeeze %dma_wait3A_35 : memref<1x125xi32, #tpu.memory_space<vmem>> -> memref<125xi32, #tpu.memory_space<vmem>>
        %dma_wait3A_37 = arith.constant 0 : i32
        %dma_wait3A_38 = arith.constant 0 : i32
        %dma_wait3A_39 = tpu.memref_slice %arg10[%dma_wait3A_37, %dma_wait3A_38] : memref<10240x128xf32, #tpu.memory_space<vmem_shared>> -> memref<10240x128xf32, #tpu.memory_space<vmem_shared>>
        tpu.wait_indirect_dma semaphore(%run_scoped3A : memref<!tpu.dma_semaphore, #tpu.memory_space<semaphore_mem>>) src(%arg9 : memref<125x128xf32, #tpu.memory_space<vmem>>) dst(%dma_wait3A_39 : memref<10240x128xf32, #tpu.memory_space<vmem_shared>>)
        tpu.yield
      }) : () -> ()
    }
    %scan3A_11 = arith.constant 80 : i32
    %barrier3A_12 = arith.constant 0 : index
    tpu.barrier barrier_id(%barrier3A_12)
    %mul3A_13 = arith.constant 640 : i32
    %mul3A_14 = arith.muli %arg1, %mul3A_13 : i32
    %mul3A_15 = arith.constant 640 : i32
    %mul3A_16 = arith.muli %arg1, %mul3A_15 : i32
    "tpu.region"() ({
      %run_scoped3A = tpu.sem_alloc : memref<!tpu.dma_semaphore, #tpu.memory_space<semaphore_mem>>
      %dma_start3A = arith.constant 0 : i32
      %dma_start3A_17 = tpu.memref_slice %arg6[%arg0, %mul3A_16, %dma_start3A] : memref<2x10240x128xf32, #tpu.memory_space<hbm>> -> memref<1x640x128xf32, #tpu.memory_space<hbm>>
      %dma_start3A_18 = tpu.memref_squeeze %dma_start3A_17 : memref<1x640x128xf32, #tpu.memory_space<hbm>> -> memref<640x128xf32, #tpu.memory_space<hbm>>
      %dma_start3A_19 = arith.constant 0 : i32
      %dma_start3A_20 = tpu.memref_slice %arg10[%mul3A_14, %dma_start3A_19] : memref<10240x128xf32, #tpu.memory_space<vmem_shared>> -> memref<640x128xf32, #tpu.memory_space<vmem_shared>>
      tpu.enqueue_dma source(%dma_start3A_20 : memref<640x128xf32, #tpu.memory_space<vmem_shared>>) target(%dma_start3A_18 : memref<640x128xf32, #tpu.memory_space<hbm>>) target_semaphore(%run_scoped3A : memref<!tpu.dma_semaphore, #tpu.memory_space<semaphore_mem>>)
      %dma_wait3A = arith.constant 0 : i32
      %dma_wait3A_21 = tpu.memref_slice %arg6[%arg0, %mul3A_16, %dma_wait3A] : memref<2x10240x128xf32, #tpu.memory_space<hbm>> -> memref<1x640x128xf32, #tpu.memory_space<hbm>>
      %dma_wait3A_22 = tpu.memref_squeeze %dma_wait3A_21 : memref<1x640x128xf32, #tpu.memory_space<hbm>> -> memref<640x128xf32, #tpu.memory_space<hbm>>
      %dma_wait3A_23 = arith.constant 0 : i32
      %dma_wait3A_24 = tpu.memref_slice %arg10[%mul3A_14, %dma_wait3A_23] : memref<10240x128xf32, #tpu.memory_space<vmem_shared>> -> memref<640x128xf32, #tpu.memory_space<vmem_shared>>
      tpu.wait_dma2 semaphore(%run_scoped3A : memref<!tpu.dma_semaphore, #tpu.memory_space<semaphore_mem>>) src(%dma_wait3A_24 : memref<640x128xf32, #tpu.memory_space<vmem_shared>>) dst(%dma_wait3A_22 : memref<640x128xf32, #tpu.memory_space<hbm>>)
      tpu.yield
    }) : () -> ()
    return
  }
}

#map = affine_map<(d0, d1) -> (0, 0)>
#map1 = affine_map<(d0, d1) -> (0, 0, 0)>
module attributes {stable_mosaic.version = 14 : i64} {
  func.func @_sc_scatter(%arg0: i32, %arg1: i32, %arg2: memref<10000x128xf32, #tpu.memory_space<hbm>>, %arg3: memref<2560x125xi32, #tpu.memory_space<hbm>>, %arg4: memref<2560x125xi32, #tpu.memory_space<hbm>>, %arg5: memref<640x128xf32, #tpu.memory_space<hbm>>, %arg6: memref<2x10240x128xf32, #tpu.memory_space<hbm>>, %arg7: memref<80x125xi32, #tpu.memory_space<vmem>>, %arg8: memref<80x125xi32, #tpu.memory_space<vmem>>, %arg9: memref<125x128xf32, #tpu.memory_space<vmem>>, %arg10: memref<10240x128xf32, #tpu.memory_space<vmem_shared>>, %arg11: memref<!tpu.dma_semaphore, #tpu.memory_space<semaphore_mem>>) attributes {dimension_semantics = [#tpu.dimension_semantics<core_parallel>, #tpu.dimension_semantics<subcore_parallel>], iteration_bounds = array<i64: 2, 16>, scalar_prefetch = 0 : i64, scratch_operands = 5 : i64, tpu.core_type = #tpu.core_type<sc_vector_subcore>, window_params = [{transform_indices = #map}, {transform_indices = #map}, {transform_indices = #map}, {transform_indices = #map}, {transform_indices = #map1}]} {
    %mul3A = arith.constant 16 : i32
    %mul3A_0 = arith.muli %arg0, %mul3A : i32
    %add3A = arith.addi %mul3A_0, %arg1 : i32
    %mul3A_1 = arith.constant 640 : i32
    %mul3A_2 = arith.muli %arg1, %mul3A_1 : i32
    "tpu.region"() ({
      %run_scoped3A = tpu.sem_alloc : memref<!tpu.dma_semaphore, #tpu.memory_space<semaphore_mem>>
      %dma_start3A = arith.constant 0 : i32
      %dma_start3A_17 = tpu.memref_slice %arg10[%mul3A_2, %dma_start3A] : memref<10240x128xf32, #tpu.memory_space<vmem_shared>> -> memref<640x128xf32, #tpu.memory_space<vmem_shared>>
      tpu.enqueue_dma source(%arg5 : memref<640x128xf32, #tpu.memory_space<hbm>>) target(%dma_start3A_17 : memref<640x128xf32, #tpu.memory_space<vmem_shared>>) target_semaphore(%run_scoped3A : memref<!tpu.dma_semaphore, #tpu.memory_space<semaphore_mem>>)
      %dma_wait3A = arith.constant 0 : i32
      %dma_wait3A_18 = tpu.memref_slice %arg10[%mul3A_2, %dma_wait3A] : memref<10240x128xf32, #tpu.memory_space<vmem_shared>> -> memref<640x128xf32, #tpu.memory_space<vmem_shared>>
      tpu.wait_dma2 semaphore(%run_scoped3A : memref<!tpu.dma_semaphore, #tpu.memory_space<semaphore_mem>>) src(%arg5 : memref<640x128xf32, #tpu.memory_space<hbm>>) dst(%dma_wait3A_18 : memref<640x128xf32, #tpu.memory_space<vmem_shared>>)
      tpu.yield
    }) : () -> ()
    %mul3A_3 = arith.constant 80 : i32
    %mul3A_4 = arith.muli %add3A, %mul3A_3 : i32
    "tpu.region"() ({
      %run_scoped3A = tpu.sem_alloc : memref<!tpu.dma_semaphore, #tpu.memory_space<semaphore_mem>>
      %dma_start3A = arith.constant 0 : i32
      %dma_start3A_17 = tpu.memref_slice %arg3[%mul3A_4, %dma_start3A] : memref<2560x125xi32, #tpu.memory_space<hbm>> -> memref<80x125xi32, #tpu.memory_space<hbm>>
      %dma_start3A_18 = arith.constant 0 : i32
      %dma_start3A_19 = tpu.memref_slice %arg3[%mul3A_4, %dma_start3A_18] : memref<2560x125xi32, #tpu.memory_space<hbm>> -> memref<80x125xi32, #tpu.memory_space<hbm>>
      tpu.enqueue_dma source(%dma_start3A_19 : memref<80x125xi32, #tpu.memory_space<hbm>>) target(%arg7 : memref<80x125xi32, #tpu.memory_space<vmem>>) target_semaphore(%run_scoped3A : memref<!tpu.dma_semaphore, #tpu.memory_space<semaphore_mem>>)
      %dma_wait3A = arith.constant 0 : i32
      %dma_wait3A_20 = tpu.memref_slice %arg3[%mul3A_4, %dma_wait3A] : memref<2560x125xi32, #tpu.memory_space<hbm>> -> memref<80x125xi32, #tpu.memory_space<hbm>>
      %dma_wait3A_21 = arith.constant 0 : i32
      %dma_wait3A_22 = tpu.memref_slice %arg3[%mul3A_4, %dma_wait3A_21] : memref<2560x125xi32, #tpu.memory_space<hbm>> -> memref<80x125xi32, #tpu.memory_space<hbm>>
      tpu.wait_dma2 semaphore(%run_scoped3A : memref<!tpu.dma_semaphore, #tpu.memory_space<semaphore_mem>>) src(%dma_wait3A_22 : memref<80x125xi32, #tpu.memory_space<hbm>>) dst(%arg7 : memref<80x125xi32, #tpu.memory_space<vmem>>)
      tpu.yield
    }) : () -> ()
    %mul3A_5 = arith.constant 80 : i32
    %mul3A_6 = arith.muli %add3A, %mul3A_5 : i32
    "tpu.region"() ({
      %run_scoped3A = tpu.sem_alloc : memref<!tpu.dma_semaphore, #tpu.memory_space<semaphore_mem>>
      %dma_start3A = arith.constant 0 : i32
      %dma_start3A_17 = tpu.memref_slice %arg4[%mul3A_6, %dma_start3A] : memref<2560x125xi32, #tpu.memory_space<hbm>> -> memref<80x125xi32, #tpu.memory_space<hbm>>
      %dma_start3A_18 = arith.constant 0 : i32
      %dma_start3A_19 = tpu.memref_slice %arg4[%mul3A_6, %dma_start3A_18] : memref<2560x125xi32, #tpu.memory_space<hbm>> -> memref<80x125xi32, #tpu.memory_space<hbm>>
      tpu.enqueue_dma source(%dma_start3A_19 : memref<80x125xi32, #tpu.memory_space<hbm>>) target(%arg8 : memref<80x125xi32, #tpu.memory_space<vmem>>) target_semaphore(%run_scoped3A : memref<!tpu.dma_semaphore, #tpu.memory_space<semaphore_mem>>)
      %dma_wait3A = arith.constant 0 : i32
      %dma_wait3A_20 = tpu.memref_slice %arg4[%mul3A_6, %dma_wait3A] : memref<2560x125xi32, #tpu.memory_space<hbm>> -> memref<80x125xi32, #tpu.memory_space<hbm>>
      %dma_wait3A_21 = arith.constant 0 : i32
      %dma_wait3A_22 = tpu.memref_slice %arg4[%mul3A_6, %dma_wait3A_21] : memref<2560x125xi32, #tpu.memory_space<hbm>> -> memref<80x125xi32, #tpu.memory_space<hbm>>
      tpu.wait_dma2 semaphore(%run_scoped3A : memref<!tpu.dma_semaphore, #tpu.memory_space<semaphore_mem>>) src(%dma_wait3A_22 : memref<80x125xi32, #tpu.memory_space<hbm>>) dst(%arg8 : memref<80x125xi32, #tpu.memory_space<vmem>>)
      tpu.yield
    }) : () -> ()
    %barrier3A = arith.constant 0 : index
    tpu.barrier barrier_id(%barrier3A)
    %scan3A = arith.constant 0 : i32
    %scan3A_7 = arith.constant 0 : i32
    %scan3A_8 = arith.constant 80 : i32
    %scan3A_9 = arith.addi %scan3A_7, %scan3A_8 : i32
    %scan3A_10 = arith.constant 1 : i32
    scf.for %scan3A_17 = %scan3A_7 to %scan3A_9 step %scan3A_10  : i32 {
      %dma_start3A = arith.constant 0 : i32
      %dma_start3A_18 = tpu.memref_slice %arg7[%scan3A_17, %dma_start3A] : memref<80x125xi32, #tpu.memory_space<vmem>> -> memref<1x125xi32, #tpu.memory_space<vmem>>
      %dma_start3A_19 = tpu.memref_squeeze %dma_start3A_18 : memref<1x125xi32, #tpu.memory_space<vmem>> -> memref<125xi32, #tpu.memory_space<vmem>>
      %dma_start3A_20 = arith.constant 0 : i32
      %dma_start3A_21 = arith.constant 0 : i32
      %dma_start3A_22 = tpu.memref_slice %arg2[%dma_start3A_20, %dma_start3A_21] : memref<10000x128xf32, #tpu.memory_space<hbm>> -> memref<10000x128xf32, #tpu.memory_space<hbm>>
      tpu.enqueue_indirect_dma source(%dma_start3A_22 : memref<10000x128xf32, #tpu.memory_space<hbm>>) target(%arg9 : memref<125x128xf32, #tpu.memory_space<vmem>>) offsets(%dma_start3A_19 : memref<125xi32, #tpu.memory_space<vmem>>) semaphore(%arg11 : memref<!tpu.dma_semaphore, #tpu.memory_space<semaphore_mem>>)
      %dma_wait3A = arith.constant 0 : i32
      %dma_wait3A_23 = tpu.memref_slice %arg7[%scan3A_17, %dma_wait3A] : memref<80x125xi32, #tpu.memory_space<vmem>> -> memref<1x125xi32, #tpu.memory_space<vmem>>
      %dma_wait3A_24 = tpu.memref_squeeze %dma_wait3A_23 : memref<1x125xi32, #tpu.memory_space<vmem>> -> memref<125xi32, #tpu.memory_space<vmem>>
      %dma_wait3A_25 = arith.constant 0 : i32
      %dma_wait3A_26 = arith.constant 0 : i32
      %dma_wait3A_27 = tpu.memref_slice %arg2[%dma_wait3A_25, %dma_wait3A_26] : memref<10000x128xf32, #tpu.memory_space<hbm>> -> memref<10000x128xf32, #tpu.memory_space<hbm>>
      tpu.wait_indirect_dma semaphore(%arg11 : memref<!tpu.dma_semaphore, #tpu.memory_space<semaphore_mem>>) src(%dma_wait3A_27 : memref<10000x128xf32, #tpu.memory_space<hbm>>) dst(%arg9 : memref<125x128xf32, #tpu.memory_space<vmem>>)
      "tpu.region"() ({
        %run_scoped3A = tpu.sem_alloc : memref<!tpu.dma_semaphore, #tpu.memory_space<semaphore_mem>>
        %dma_start3A_28 = arith.constant 0 : i32
        %dma_start3A_29 = tpu.memref_slice %arg8[%scan3A_17, %dma_start3A_28] : memref<80x125xi32, #tpu.memory_space<vmem>> -> memref<1x125xi32, #tpu.memory_space<vmem>>
        %dma_start3A_30 = tpu.memref_squeeze %dma_start3A_29 : memref<1x125xi32, #tpu.memory_space<vmem>> -> memref<125xi32, #tpu.memory_space<vmem>>
        %dma_start3A_31 = arith.constant 0 : i32
        %dma_start3A_32 = arith.constant 0 : i32
        %dma_start3A_33 = tpu.memref_slice %arg10[%dma_start3A_31, %dma_start3A_32] : memref<10240x128xf32, #tpu.memory_space<vmem_shared>> -> memref<10240x128xf32, #tpu.memory_space<vmem_shared>>
        tpu.enqueue_indirect_dma source(%arg9 : memref<125x128xf32, #tpu.memory_space<vmem>>) target(%dma_start3A_33 : memref<10240x128xf32, #tpu.memory_space<vmem_shared>>) offsets(%dma_start3A_30 : memref<125xi32, #tpu.memory_space<vmem>>) semaphore(%run_scoped3A : memref<!tpu.dma_semaphore, #tpu.memory_space<semaphore_mem>>) {add = true}
        %dma_wait3A_34 = arith.constant 0 : i32
        %dma_wait3A_35 = tpu.memref_slice %arg8[%scan3A_17, %dma_wait3A_34] : memref<80x125xi32, #tpu.memory_space<vmem>> -> memref<1x125xi32, #tpu.memory_space<vmem>>
        %dma_wait3A_36 = tpu.memref_squeeze %dma_wait3A_35 : memref<1x125xi32, #tpu.memory_space<vmem>> -> memref<125xi32, #tpu.memory_space<vmem>>
        %dma_wait3A_37 = arith.constant 0 : i32
        %dma_wait3A_38 = arith.constant 0 : i32
        %dma_wait3A_39 = tpu.memref_slice %arg10[%dma_wait3A_37, %dma_wait3A_38] : memref<10240x128xf32, #tpu.memory_space<vmem_shared>> -> memref<10240x128xf32, #tpu.memory_space<vmem_shared>>
        tpu.wait_indirect_dma semaphore(%run_scoped3A : memref<!tpu.dma_semaphore, #tpu.memory_space<semaphore_mem>>) src(%arg9 : memref<125x128xf32, #tpu.memory_space<vmem>>) dst(%dma_wait3A_39 : memref<10240x128xf32, #tpu.memory_space<vmem_shared>>)
        tpu.yield
      }) : () -> ()
    }
    %scan3A_11 = arith.constant 80 : i32
    %barrier3A_12 = arith.constant 0 : index
    tpu.barrier barrier_id(%barrier3A_12)
    %mul3A_13 = arith.constant 640 : i32
    %mul3A_14 = arith.muli %arg1, %mul3A_13 : i32
    %mul3A_15 = arith.constant 640 : i32
    %mul3A_16 = arith.muli %arg1, %mul3A_15 : i32
    "tpu.region"() ({
      %run_scoped3A = tpu.sem_alloc : memref<!tpu.dma_semaphore, #tpu.memory_space<semaphore_mem>>
      %dma_start3A = arith.constant 0 : i32
      %dma_start3A_17 = tpu.memref_slice %arg6[%arg0, %mul3A_16, %dma_start3A] : memref<2x10240x128xf32, #tpu.memory_space<hbm>> -> memref<1x640x128xf32, #tpu.memory_space<hbm>>
      %dma_start3A_18 = tpu.memref_squeeze %dma_start3A_17 : memref<1x640x128xf32, #tpu.memory_space<hbm>> -> memref<640x128xf32, #tpu.memory_space<hbm>>
      %dma_start3A_19 = arith.constant 0 : i32
      %dma_start3A_20 = tpu.memref_slice %arg10[%mul3A_14, %dma_start3A_19] : memref<10240x128xf32, #tpu.memory_space<vmem_shared>> -> memref<640x128xf32, #tpu.memory_space<vmem_shared>>
      tpu.enqueue_dma source(%dma_start3A_20 : memref<640x128xf32, #tpu.memory_space<vmem_shared>>) target(%dma_start3A_18 : memref<640x128xf32, #tpu.memory_space<hbm>>) target_semaphore(%run_scoped3A : memref<!tpu.dma_semaphore, #tpu.memory_space<semaphore_mem>>)
      %dma_wait3A = arith.constant 0 : i32
      %dma_wait3A_21 = tpu.memref_slice %arg6[%arg0, %mul3A_16, %dma_wait3A] : memref<2x10240x128xf32, #tpu.memory_space<hbm>> -> memref<1x640x128xf32, #tpu.memory_space<hbm>>
      %dma_wait3A_22 = tpu.memref_squeeze %dma_wait3A_21 : memref<1x640x128xf32, #tpu.memory_space<hbm>> -> memref<640x128xf32, #tpu.memory_space<hbm>>
      %dma_wait3A_23 = arith.constant 0 : i32
      %dma_wait3A_24 = tpu.memref_slice %arg10[%mul3A_14, %dma_wait3A_23] : memref<10240x128xf32, #tpu.memory_space<vmem_shared>> -> memref<640x128xf32, #tpu.memory_space<vmem_shared>>
      tpu.wait_dma2 semaphore(%run_scoped3A : memref<!tpu.dma_semaphore, #tpu.memory_space<semaphore_mem>>) src(%dma_wait3A_24 : memref<640x128xf32, #tpu.memory_space<vmem_shared>>) dst(%dma_wait3A_22 : memref<640x128xf32, #tpu.memory_space<hbm>>)
      tpu.yield
    }) : () -> ()
    return
  }
}

module attributes {stable_mosaic.version = 14 : i64} {
  func.func @_m0_body(%arg0: i32, %arg1: memref<2000x128xf32, #tpu.memory_space<vmem>>, %arg2: memref<2x2000x128xf32, #tpu.memory_space<vmem>>, %arg3: memref<128x128xf32, #tpu.memory_space<vmem>>, %arg4: memref<1x128xf32, #tpu.memory_space<vmem>>, %arg5: memref<128x128xf32, #tpu.memory_space<vmem>>, %arg6: memref<2000x128xf32, #tpu.memory_space<vmem>>) attributes {dimension_semantics = [#tpu.dimension_semantics<arbitrary>], iteration_bounds = array<i64: 5>, scalar_prefetch = 0 : i64, scratch_operands = 0 : i64, tpu.core_type = #tpu.core_type<tc>, window_params = [{transform_indices = @transform_0, window_bounds = array<i64: 2000, 128>}, {transform_indices = @transform_1, window_bounds = array<i64: 2, 2000, 128>}, {pipeline_mode = #tpu.pipeline_mode<synchronous>, transform_indices = @transform_2, window_bounds = array<i64: 128, 128>}, {pipeline_mode = #tpu.pipeline_mode<synchronous>, transform_indices = @transform_3, window_bounds = array<i64: 1, 128>}, {pipeline_mode = #tpu.pipeline_mode<synchronous>, transform_indices = @transform_4, window_bounds = array<i64: 128, 128>}, {transform_indices = @transform_5, window_bounds = array<i64: 2000, 128>}]} {
    %get3A = arith.constant 0 : index
    %get3A_0 = arith.constant 0 : index
    %get3A_1 = vector.load %arg1[%get3A, %get3A_0] : memref<2000x128xf32, #tpu.memory_space<vmem>>, vector<2000x128xf32>
    %get3A_2 = arith.constant 0 : index
    %get3A_3 = arith.constant 0 : index
    %get3A_4 = vector.load %arg3[%get3A_2, %get3A_3] : memref<128x128xf32, #tpu.memory_space<vmem>>, vector<128x128xf32>
    %dot_general3A = arith.constant dense<0.000000e+00> : vector<2000x128xf32>
    %dot_general3A_5 = tpu.matmul %get3A_1, %get3A_4, %dot_general3A {dimension_numbers = #tpu.dot_dimension_numbers<[1], [0], [0], [1], [0, 0, 1, 1], [], []>, transpose_lhs_hint = false} : vector<2000x128xf32>, vector<128x128xf32>, vector<2000x128xf32> -> vector<2000x128xf32>
    %get3A_6 = arith.constant 0 : index
    %get3A_7 = arith.constant 0 : index
    %get3A_8 = vector.load %arg4[%get3A_6, %get3A_7] : memref<1x128xf32, #tpu.memory_space<vmem>>, vector<1x128xf32>
    %add3A = vector.broadcast %get3A_8 : vector<1x128xf32> to vector<2000x128xf32>
    %add3A_9 = arith.addf %dot_general3A_5, %add3A : vector<2000x128xf32>
    %get3A_10 = arith.constant 0 : index
    %get3A_11 = arith.constant 0 : index
    %get3A_12 = arith.constant 0 : index
    %get3A_13 = vector.load %arg2[%get3A_10, %get3A_11, %get3A_12] : memref<2x2000x128xf32, #tpu.memory_space<vmem>>, vector<1x2000x1xf32>
    %get3A_14 = vector.shape_cast %get3A_13 : vector<1x2000x1xf32> to vector<2000x1xf32>
    %add3A_15 = arith.constant 1.000000e+00 : f32
    %add3A_16 = vector.broadcast %add3A_15 : f32 to vector<2000x1xf32>
    %add3A_17 = arith.addf %add3A_16, %get3A_14 : vector<2000x1xf32>
    %get3A_18 = arith.constant 1 : index
    %get3A_19 = arith.constant 0 : index
    %get3A_20 = arith.constant 0 : index
    %get3A_21 = vector.load %arg2[%get3A_18, %get3A_19, %get3A_20] : memref<2x2000x128xf32, #tpu.memory_space<vmem>>, vector<1x2000x1xf32>
    %get3A_22 = vector.shape_cast %get3A_21 : vector<1x2000x1xf32> to vector<2000x1xf32>
    %add3A_23 = arith.addf %add3A_17, %get3A_22 : vector<2000x1xf32>
    %rsqrt3A = math.rsqrt %add3A_23 : vector<2000x1xf32>
    %get3A_24 = arith.constant 0 : index
    %get3A_25 = arith.constant 0 : index
    %get3A_26 = vector.load %arg5[%get3A_24, %get3A_25] : memref<128x128xf32, #tpu.memory_space<vmem>>, vector<128x128xf32>
    %dot_general3A_27 = arith.constant dense<0.000000e+00> : vector<2000x128xf32>
    %dot_general3A_28 = tpu.matmul %add3A_9, %get3A_26, %dot_general3A_27 {dimension_numbers = #tpu.dot_dimension_numbers<[1], [0], [0], [1], [0, 0, 1, 1], [], []>, transpose_lhs_hint = false} : vector<2000x128xf32>, vector<128x128xf32>, vector<2000x128xf32> -> vector<2000x128xf32>
    %mul3A = vector.broadcast %rsqrt3A : vector<2000x1xf32> to vector<2000x128xf32>
    %mul3A_29 = arith.mulf %mul3A, %dot_general3A_28 : vector<2000x128xf32>
    %swap3A = arith.constant 0 : index
    %swap3A_30 = arith.constant 0 : index
    %swap3A_31 = vector.load %arg6[%swap3A, %swap3A_30] : memref<2000x128xf32, #tpu.memory_space<vmem>>, vector<2000x128xf32>
    tpu.vector_store %arg6[%swap3A, %swap3A_30], %mul3A_29 {strides = array<i32>} : memref<2000x128xf32, #tpu.memory_space<vmem>>, vector<2000x128xf32>,
    return
  }
  func.func @transform_0(%arg0: i32) -> (i32, i32) {
    %c0_i32 = arith.constant 0 : i32
    %c0_i32_0 = arith.constant 0 : i32
    return %arg0, %c0_i32 : i32, i32
  }
  func.func @transform_1(%arg0: i32) -> (i32, i32, i32) {
    %c0_i32 = arith.constant 0 : i32
    %c0_i32_0 = arith.constant 0 : i32
    %c0_i32_1 = arith.constant 0 : i32
    return %c0_i32, %arg0, %c0_i32_0 : i32, i32, i32
  }
  func.func @transform_2(%arg0: i32) -> (i32, i32) {
    %c0_i32 = arith.constant 0 : i32
    %c0_i32_0 = arith.constant 0 : i32
    %c0_i32_1 = arith.constant 0 : i32
    return %c0_i32, %c0_i32_0 : i32, i32
  }
  func.func @transform_3(%arg0: i32) -> (i32, i32) {
    %c0_i32 = arith.constant 0 : i32
    %c0_i32_0 = arith.constant 0 : i32
    %c0_i32_1 = arith.constant 0 : i32
    return %c0_i32, %c0_i32_0 : i32, i32
  }
  func.func @transform_4(%arg0: i32) -> (i32, i32) {
    %c0_i32 = arith.constant 0 : i32
    %c0_i32_0 = arith.constant 0 : i32
    %c0_i32_1 = arith.constant 0 : i32
    return %c0_i32, %c0_i32_0 : i32, i32
  }
  func.func @transform_5(%arg0: i32) -> (i32, i32) {
    %c0_i32 = arith.constant 0 : i32
    %c0_i32_0 = arith.constant 0 : i32
    return %arg0, %c0_i32 : i32, i32
  }
}

module attributes {stable_mosaic.version = 14 : i64} {
  func.func @_m12_body(%arg0: i32, %arg1: memref<2x2000x128xf32, #tpu.memory_space<vmem>>, %arg2: memref<2000x128xf32, #tpu.memory_space<vmem>>, %arg3: memref<2x2000x128xf32, #tpu.memory_space<vmem>>, %arg4: memref<1x128xf32, #tpu.memory_space<vmem>>, %arg5: memref<1x128xf32, #tpu.memory_space<vmem>>, %arg6: memref<1x128xf32, #tpu.memory_space<vmem>>, %arg7: memref<128x128xf32, #tpu.memory_space<vmem>>, %arg8: memref<2000x128xf32, #tpu.memory_space<vmem>>) attributes {dimension_semantics = [#tpu.dimension_semantics<arbitrary>], iteration_bounds = array<i64: 5>, scalar_prefetch = 0 : i64, scratch_operands = 0 : i64, tpu.core_type = #tpu.core_type<tc>, window_params = [{transform_indices = @transform_0, window_bounds = array<i64: 2, 2000, 128>}, {transform_indices = @transform_1, window_bounds = array<i64: 2000, 128>}, {transform_indices = @transform_2, window_bounds = array<i64: 2, 2000, 128>}, {pipeline_mode = #tpu.pipeline_mode<synchronous>, transform_indices = @transform_3, window_bounds = array<i64: 1, 128>}, {pipeline_mode = #tpu.pipeline_mode<synchronous>, transform_indices = @transform_4, window_bounds = array<i64: 1, 128>}, {pipeline_mode = #tpu.pipeline_mode<synchronous>, transform_indices = @transform_5, window_bounds = array<i64: 1, 128>}, {pipeline_mode = #tpu.pipeline_mode<synchronous>, transform_indices = @transform_6, window_bounds = array<i64: 128, 128>}, {transform_indices = @transform_7, window_bounds = array<i64: 2000, 128>}]} {
    %get3A = arith.constant 0 : index
    %get3A_0 = arith.constant 0 : index
    %get3A_1 = arith.constant 0 : index
    %get3A_2 = vector.load %arg3[%get3A, %get3A_0, %get3A_1] : memref<2x2000x128xf32, #tpu.memory_space<vmem>>, vector<1x2000x1xf32>
    %get3A_3 = vector.shape_cast %get3A_2 : vector<1x2000x1xf32> to vector<2000x1xf32>
    %add3A = arith.constant 1.000000e+00 : f32
    %add3A_4 = vector.broadcast %add3A : f32 to vector<2000x1xf32>
    %add3A_5 = arith.addf %add3A_4, %get3A_3 : vector<2000x1xf32>
    %get3A_6 = arith.constant 1 : index
    %get3A_7 = arith.constant 0 : index
    %get3A_8 = arith.constant 0 : index
    %get3A_9 = vector.load %arg3[%get3A_6, %get3A_7, %get3A_8] : memref<2x2000x128xf32, #tpu.memory_space<vmem>>, vector<1x2000x1xf32>
    %get3A_10 = vector.shape_cast %get3A_9 : vector<1x2000x1xf32> to vector<2000x1xf32>
    %add3A_11 = arith.addf %add3A_5, %get3A_10 : vector<2000x1xf32>
    %rsqrt3A = math.rsqrt %add3A_11 : vector<2000x1xf32>
    %get3A_12 = arith.constant 0 : index
    %get3A_13 = arith.constant 0 : index
    %get3A_14 = arith.constant 0 : index
    %get3A_15 = vector.load %arg1[%get3A_12, %get3A_13, %get3A_14] : memref<2x2000x128xf32, #tpu.memory_space<vmem>>, vector<1x2000x128xf32>
    %get3A_16 = vector.shape_cast %get3A_15 : vector<1x2000x128xf32> to vector<2000x128xf32>
    %get3A_17 = arith.constant 1 : index
    %get3A_18 = arith.constant 0 : index
    %get3A_19 = arith.constant 0 : index
    %get3A_20 = vector.load %arg1[%get3A_17, %get3A_18, %get3A_19] : memref<2x2000x128xf32, #tpu.memory_space<vmem>>, vector<1x2000x128xf32>
    %get3A_21 = vector.shape_cast %get3A_20 : vector<1x2000x128xf32> to vector<2000x128xf32>
    %add3A_22 = arith.addf %get3A_16, %get3A_21 : vector<2000x128xf32>
    %get3A_23 = arith.constant 0 : index
    %get3A_24 = arith.constant 0 : index
    %get3A_25 = vector.load %arg2[%get3A_23, %get3A_24] : memref<2000x128xf32, #tpu.memory_space<vmem>>, vector<2000x128xf32>
    %add3A_26 = arith.addf %add3A_22, %get3A_25 : vector<2000x128xf32>
    %mul3A = vector.broadcast %rsqrt3A : vector<2000x1xf32> to vector<2000x128xf32>
    %mul3A_27 = arith.mulf %mul3A, %add3A_26 : vector<2000x128xf32>
    %get3A_28 = arith.constant 0 : index
    %get3A_29 = arith.constant 0 : index
    %get3A_30 = vector.load %arg4[%get3A_28, %get3A_29] : memref<1x128xf32, #tpu.memory_space<vmem>>, vector<1x128xf32>
    %add3A_31 = vector.broadcast %get3A_30 : vector<1x128xf32> to vector<2000x128xf32>
    %add3A_32 = arith.addf %mul3A_27, %add3A_31 : vector<2000x128xf32>
    %max3A = arith.constant 0.000000e+00 : f32
    %max3A_33 = vector.broadcast %max3A : f32 to vector<2000x128xf32>
    %max3A_34 = arith.maximumf %add3A_32, %max3A_33 : vector<2000x128xf32>
    %reduce_sum3A = arith.constant dense<0.000000e+00> : vector<2000xf32>
    %reduce_sum3A_35 = vector.multi_reduction <add>, %max3A_34, %reduce_sum3A [1] : vector<2000x128xf32> to vector<2000xf32>
    %broadcast_in_dim3A = vector.shape_cast %reduce_sum3A_35 : vector<2000xf32> to vector<2000x1xf32>
    %div3A = arith.constant 1.280000e+02 : f32
    %div3A_36 = vector.broadcast %div3A : f32 to vector<2000x1xf32>
    %div3A_37 = arith.divf %broadcast_in_dim3A, %div3A_36 : vector<2000x1xf32>
    %sub3A = vector.broadcast %div3A_37 : vector<2000x1xf32> to vector<2000x128xf32>
    %sub3A_38 = arith.subf %max3A_34, %sub3A : vector<2000x128xf32>
    %integer_pow3A = arith.mulf %sub3A_38, %sub3A_38 : vector<2000x128xf32>
    %reduce_sum3A_39 = arith.constant dense<0.000000e+00> : vector<2000xf32>
    %reduce_sum3A_40 = vector.multi_reduction <add>, %integer_pow3A, %reduce_sum3A_39 [1] : vector<2000x128xf32> to vector<2000xf32>
    %broadcast_in_dim3A_41 = vector.shape_cast %reduce_sum3A_40 : vector<2000xf32> to vector<2000x1xf32>
    %div3A_42 = arith.constant 1.280000e+02 : f32
    %div3A_43 = vector.broadcast %div3A_42 : f32 to vector<2000x1xf32>
    %div3A_44 = arith.divf %broadcast_in_dim3A_41, %div3A_43 : vector<2000x1xf32>
    %sub3A_45 = vector.broadcast %div3A_37 : vector<2000x1xf32> to vector<2000x128xf32>
    %sub3A_46 = arith.subf %max3A_34, %sub3A_45 : vector<2000x128xf32>
    %add3A_47 = arith.constant 9.99999974E-6 : f32
    %add3A_48 = vector.broadcast %add3A_47 : f32 to vector<2000x1xf32>
    %add3A_49 = arith.addf %div3A_44, %add3A_48 : vector<2000x1xf32>
    %rsqrt3A_50 = math.rsqrt %add3A_49 : vector<2000x1xf32>
    %mul3A_51 = vector.broadcast %rsqrt3A_50 : vector<2000x1xf32> to vector<2000x128xf32>
    %mul3A_52 = arith.mulf %sub3A_46, %mul3A_51 : vector<2000x128xf32>
    %get3A_53 = arith.constant 0 : index
    %get3A_54 = arith.constant 0 : index
    %get3A_55 = vector.load %arg5[%get3A_53, %get3A_54] : memref<1x128xf32, #tpu.memory_space<vmem>>, vector<1x128xf32>
    %mul3A_56 = vector.broadcast %get3A_55 : vector<1x128xf32> to vector<2000x128xf32>
    %mul3A_57 = arith.mulf %mul3A_52, %mul3A_56 : vector<2000x128xf32>
    %get3A_58 = arith.constant 0 : index
    %get3A_59 = arith.constant 0 : index
    %get3A_60 = vector.load %arg6[%get3A_58, %get3A_59] : memref<1x128xf32, #tpu.memory_space<vmem>>, vector<1x128xf32>
    %add3A_61 = vector.broadcast %get3A_60 : vector<1x128xf32> to vector<2000x128xf32>
    %add3A_62 = arith.addf %mul3A_57, %add3A_61 : vector<2000x128xf32>
    %get3A_63 = arith.constant 0 : index
    %get3A_64 = arith.constant 0 : index
    %get3A_65 = vector.load %arg7[%get3A_63, %get3A_64] : memref<128x128xf32, #tpu.memory_space<vmem>>, vector<128x128xf32>
    %dot_general3A = arith.constant dense<0.000000e+00> : vector<2000x128xf32>
    %dot_general3A_66 = tpu.matmul %add3A_62, %get3A_65, %dot_general3A {dimension_numbers = #tpu.dot_dimension_numbers<[1], [0], [0], [1], [0, 0, 1, 1], [], []>, transpose_lhs_hint = false} : vector<2000x128xf32>, vector<128x128xf32>, vector<2000x128xf32> -> vector<2000x128xf32>
    %mul3A_67 = vector.broadcast %rsqrt3A : vector<2000x1xf32> to vector<2000x128xf32>
    %mul3A_68 = arith.mulf %mul3A_67, %dot_general3A_66 : vector<2000x128xf32>
    %swap3A = arith.constant 0 : index
    %swap3A_69 = arith.constant 0 : index
    %swap3A_70 = vector.load %arg8[%swap3A, %swap3A_69] : memref<2000x128xf32, #tpu.memory_space<vmem>>, vector<2000x128xf32>
    tpu.vector_store %arg8[%swap3A, %swap3A_69], %mul3A_68 {strides = array<i32>} : memref<2000x128xf32, #tpu.memory_space<vmem>>, vector<2000x128xf32>,
    return
  }
  func.func @transform_0(%arg0: i32) -> (i32, i32, i32) {
    %c0_i32 = arith.constant 0 : i32
    %c0_i32_0 = arith.constant 0 : i32
    %c0_i32_1 = arith.constant 0 : i32
    return %c0_i32, %arg0, %c0_i32_0 : i32, i32, i32
  }
  func.func @transform_1(%arg0: i32) -> (i32, i32) {
    %c0_i32 = arith.constant 0 : i32
    %c0_i32_0 = arith.constant 0 : i32
    return %arg0, %c0_i32 : i32, i32
  }
  func.func @transform_2(%arg0: i32) -> (i32, i32, i32) {
    %c0_i32 = arith.constant 0 : i32
    %c0_i32_0 = arith.constant 0 : i32
    %c0_i32_1 = arith.constant 0 : i32
    return %c0_i32, %arg0, %c0_i32_0 : i32, i32, i32
  }
  func.func @transform_3(%arg0: i32) -> (i32, i32) {
    %c0_i32 = arith.constant 0 : i32
    %c0_i32_0 = arith.constant 0 : i32
    %c0_i32_1 = arith.constant 0 : i32
    return %c0_i32, %c0_i32_0 : i32, i32
  }
  func.func @transform_4(%arg0: i32) -> (i32, i32) {
    %c0_i32 = arith.constant 0 : i32
    %c0_i32_0 = arith.constant 0 : i32
    %c0_i32_1 = arith.constant 0 : i32
    return %c0_i32, %c0_i32_0 : i32, i32
  }
  func.func @transform_5(%arg0: i32) -> (i32, i32) {
    %c0_i32 = arith.constant 0 : i32
    %c0_i32_0 = arith.constant 0 : i32
    %c0_i32_1 = arith.constant 0 : i32
    return %c0_i32, %c0_i32_0 : i32, i32
  }
  func.func @transform_6(%arg0: i32) -> (i32, i32) {
    %c0_i32 = arith.constant 0 : i32
    %c0_i32_0 = arith.constant 0 : i32
    %c0_i32_1 = arith.constant 0 : i32
    return %c0_i32, %c0_i32_0 : i32, i32
  }
  func.func @transform_7(%arg0: i32) -> (i32, i32) {
    %c0_i32 = arith.constant 0 : i32
    %c0_i32_0 = arith.constant 0 : i32
    return %arg0, %c0_i32 : i32, i32
  }
}

module attributes {stable_mosaic.version = 14 : i64} {
  func.func @_m3_body(%arg0: i32, %arg1: memref<2x1000x128xf32, #tpu.memory_space<vmem>>, %arg2: memref<1000x128xf32, #tpu.memory_space<vmem>>, %arg3: memref<2x1000x128xf32, #tpu.memory_space<vmem>>, %arg4: memref<1x128xf32, #tpu.memory_space<vmem>>, %arg5: memref<1000x1xi32, #tpu.memory_space<vmem>>, %arg6: memref<128x10xf32, #tpu.memory_space<vmem>>, %arg7: memref<1x10xf32, #tpu.memory_space<vmem>>, %arg8: memref<100x10xf32, #tpu.memory_space<vmem>>, %arg9: memref<100x10xf32, #tpu.memory_space<vmem>>, %arg10: memref<100x128xf32, #tpu.memory_space<vmem>>, %arg11: memref<100x128xf32, #tpu.memory_space<vmem>>) attributes {dimension_semantics = [#tpu.dimension_semantics<arbitrary>], iteration_bounds = array<i64: 10>, scalar_prefetch = 0 : i64, scratch_operands = 2 : i64, tpu.core_type = #tpu.core_type<tc>, window_params = [{transform_indices = @transform_0, window_bounds = array<i64: 2, 1000, 128>}, {transform_indices = @transform_1, window_bounds = array<i64: 1000, 128>}, {transform_indices = @transform_2, window_bounds = array<i64: 2, 1000, 128>}, {pipeline_mode = #tpu.pipeline_mode<synchronous>, transform_indices = @transform_3, window_bounds = array<i64: 1, 128>}, {transform_indices = @transform_4, window_bounds = array<i64: 1000, 1>}, {pipeline_mode = #tpu.pipeline_mode<synchronous>, transform_indices = @transform_5, window_bounds = array<i64: 128, 10>}, {pipeline_mode = #tpu.pipeline_mode<synchronous>, transform_indices = @transform_6, window_bounds = array<i64: 1, 10>}, {pipeline_mode = #tpu.pipeline_mode<synchronous>, transform_indices = @transform_7, window_bounds = array<i64: 100, 10>}, {pipeline_mode = #tpu.pipeline_mode<synchronous>, transform_indices = @transform_8, window_bounds = array<i64: 100, 10>}]} {
    %get3A = arith.constant 0 : index
    %get3A_0 = arith.constant 0 : index
    %get3A_1 = arith.constant 0 : index
    %get3A_2 = vector.load %arg3[%get3A, %get3A_0, %get3A_1] : memref<2x1000x128xf32, #tpu.memory_space<vmem>>, vector<1x1000x1xf32>
    %get3A_3 = vector.shape_cast %get3A_2 : vector<1x1000x1xf32> to vector<1000x1xf32>
    %add3A = arith.constant 1.000000e+00 : f32
    %add3A_4 = vector.broadcast %add3A : f32 to vector<1000x1xf32>
    %add3A_5 = arith.addf %add3A_4, %get3A_3 : vector<1000x1xf32>
    %get3A_6 = arith.constant 1 : index
    %get3A_7 = arith.constant 0 : index
    %get3A_8 = arith.constant 0 : index
    %get3A_9 = vector.load %arg3[%get3A_6, %get3A_7, %get3A_8] : memref<2x1000x128xf32, #tpu.memory_space<vmem>>, vector<1x1000x1xf32>
    %get3A_10 = vector.shape_cast %get3A_9 : vector<1x1000x1xf32> to vector<1000x1xf32>
    %add3A_11 = arith.addf %add3A_5, %get3A_10 : vector<1000x1xf32>
    %rsqrt3A = math.rsqrt %add3A_11 : vector<1000x1xf32>
    %get3A_12 = arith.constant 0 : index
    %get3A_13 = arith.constant 0 : index
    %get3A_14 = arith.constant 0 : index
    %get3A_15 = vector.load %arg1[%get3A_12, %get3A_13, %get3A_14] : memref<2x1000x128xf32, #tpu.memory_space<vmem>>, vector<1x1000x128xf32>
    %get3A_16 = vector.shape_cast %get3A_15 : vector<1x1000x128xf32> to vector<1000x128xf32>
    %get3A_17 = arith.constant 1 : index
    %get3A_18 = arith.constant 0 : index
    %get3A_19 = arith.constant 0 : index
    %get3A_20 = vector.load %arg1[%get3A_17, %get3A_18, %get3A_19] : memref<2x1000x128xf32, #tpu.memory_space<vmem>>, vector<1x1000x128xf32>
    %get3A_21 = vector.shape_cast %get3A_20 : vector<1x1000x128xf32> to vector<1000x128xf32>
    %add3A_22 = arith.addf %get3A_16, %get3A_21 : vector<1000x128xf32>
    %get3A_23 = arith.constant 0 : index
    %get3A_24 = arith.constant 0 : index
    %get3A_25 = vector.load %arg2[%get3A_23, %get3A_24] : memref<1000x128xf32, #tpu.memory_space<vmem>>, vector<1000x128xf32>
    %add3A_26 = arith.addf %add3A_22, %get3A_25 : vector<1000x128xf32>
    %mul3A = vector.broadcast %rsqrt3A : vector<1000x1xf32> to vector<1000x128xf32>
    %mul3A_27 = arith.mulf %mul3A, %add3A_26 : vector<1000x128xf32>
    %get3A_28 = arith.constant 0 : index
    %get3A_29 = arith.constant 0 : index
    %get3A_30 = vector.load %arg4[%get3A_28, %get3A_29] : memref<1x128xf32, #tpu.memory_space<vmem>>, vector<1x128xf32>
    %add3A_31 = vector.broadcast %get3A_30 : vector<1x128xf32> to vector<1000x128xf32>
    %add3A_32 = arith.addf %mul3A_27, %add3A_31 : vector<1000x128xf32>
    %iota3A = tpu.iota {dimensions = array<i32: 1>} : vector<1000x100xi32>
    %get3A_33 = arith.constant 0 : index
    %get3A_34 = arith.constant 0 : index
    %get3A_35 = vector.load %arg5[%get3A_33, %get3A_34] : memref<1000x1xi32, #tpu.memory_space<vmem>>, vector<1000x1xi32>
    %eq3A = vector.broadcast %get3A_35 : vector<1000x1xi32> to vector<1000x100xi32>
    %eq3A_36 = arith.cmpi eq, %iota3A, %eq3A : vector<1000x100xi32>
    %convert_element_type3A = arith.extui %eq3A_36 : vector<1000x100xi1> to vector<1000x100xi32>
    %convert_element_type3A_37 = arith.sitofp %convert_element_type3A : vector<1000x100xi32> to vector<1000x100xf32>
    %dot_general3A = arith.constant dense<0.000000e+00> : vector<100x128xf32>
    %dot_general3A_38 = tpu.matmul %convert_element_type3A_37, %add3A_32, %dot_general3A {dimension_numbers = #tpu.dot_dimension_numbers<[0], [0], [1], [1], [0, 1, 1, 1], [], []>, transpose_lhs_hint = false} : vector<1000x100xf32>, vector<1000x128xf32>, vector<100x128xf32> -> vector<100x128xf32>
    %broadcast_in_dim3A = arith.constant 1.000000e+00 : f32
    %broadcast_in_dim3A_39 = vector.broadcast %broadcast_in_dim3A : f32 to vector<1000x128xf32>
    %dot_general3A_40 = arith.constant dense<0.000000e+00> : vector<100x128xf32>
    %dot_general3A_41 = tpu.matmul %convert_element_type3A_37, %broadcast_in_dim3A_39, %dot_general3A_40 {dimension_numbers = #tpu.dot_dimension_numbers<[0], [0], [1], [1], [0, 1, 1, 1], [], []>, transpose_lhs_hint = false} : vector<1000x100xf32>, vector<1000x128xf32>, vector<100x128xf32> -> vector<100x128xf32>
    %eq3A_42 = arith.constant 0 : i32
    %eq3A_43 = arith.cmpi eq, %arg0, %eq3A_42 : i32
    %convert_element_type3A_44 = arith.extui %eq3A_43 : i1 to i32
    %cond3A = arith.constant 0 : i32
    %cond3A_45 = arith.cmpi ne, %convert_element_type3A_44, %cond3A : i32
    scf.if %cond3A_45 {
      %swap3A = arith.constant 0 : index
      %swap3A_55 = arith.constant 0 : index
      %swap3A_56 = vector.load %arg10[%swap3A, %swap3A_55] : memref<100x128xf32, #tpu.memory_space<vmem>>, vector<100x128xf32>
      tpu.vector_store %arg10[%swap3A, %swap3A_55], %dot_general3A_38 {strides = array<i32>} : memref<100x128xf32, #tpu.memory_space<vmem>>, vector<100x128xf32>,
      %swap3A_57 = arith.constant 0 : index
      %swap3A_58 = arith.constant 0 : index
      %swap3A_59 = vector.load %arg11[%swap3A_57, %swap3A_58] : memref<100x128xf32, #tpu.memory_space<vmem>>, vector<100x128xf32>
      tpu.vector_store %arg11[%swap3A_57, %swap3A_58], %dot_general3A_41 {strides = array<i32>} : memref<100x128xf32, #tpu.memory_space<vmem>>, vector<100x128xf32>,
    } else {
    }
    %gt3A = arith.constant 0 : i32
    %gt3A_46 = arith.cmpi sgt, %arg0, %gt3A : i32
    %convert_element_type3A_47 = arith.extui %gt3A_46 : i1 to i32
    %cond3A_48 = arith.constant 0 : i32
    %cond3A_49 = arith.cmpi ne, %convert_element_type3A_47, %cond3A_48 : i32
    scf.if %cond3A_49 {
      %get3A_55 = arith.constant 0 : index
      %get3A_56 = arith.constant 0 : index
      %get3A_57 = vector.load %arg10[%get3A_55, %get3A_56] : memref<100x128xf32, #tpu.memory_space<vmem>>, vector<100x128xf32>
      %add3A_58 = arith.addf %get3A_57, %dot_general3A_38 : vector<100x128xf32>
      %swap3A = arith.constant 0 : index
      %swap3A_59 = arith.constant 0 : index
      %swap3A_60 = vector.load %arg10[%swap3A, %swap3A_59] : memref<100x128xf32, #tpu.memory_space<vmem>>, vector<100x128xf32>
      tpu.vector_store %arg10[%swap3A, %swap3A_59], %add3A_58 {strides = array<i32>} : memref<100x128xf32, #tpu.memory_space<vmem>>, vector<100x128xf32>,
      %get3A_61 = arith.constant 0 : index
      %get3A_62 = arith.constant 0 : index
      %get3A_63 = vector.load %arg11[%get3A_61, %get3A_62] : memref<100x128xf32, #tpu.memory_space<vmem>>, vector<100x128xf32>
      %add3A_64 = arith.addf %get3A_63, %dot_general3A_41 : vector<100x128xf32>
      %swap3A_65 = arith.constant 0 : index
      %swap3A_66 = arith.constant 0 : index
      %swap3A_67 = vector.load %arg11[%swap3A_65, %swap3A_66] : memref<100x128xf32, #tpu.memory_space<vmem>>, vector<100x128xf32>
      tpu.vector_store %arg11[%swap3A_65, %swap3A_66], %add3A_64 {strides = array<i32>} : memref<100x128xf32, #tpu.memory_space<vmem>>, vector<100x128xf32>,
    } else {
    }
    %eq3A_50 = arith.constant 9 : i32
    %eq3A_51 = arith.cmpi eq, %arg0, %eq3A_50 : i32
    %convert_element_type3A_52 = arith.extui %eq3A_51 : i1 to i32
    %cond3A_53 = arith.constant 0 : i32
    %cond3A_54 = arith.cmpi ne, %convert_element_type3A_52, %cond3A_53 : i32
    scf.if %cond3A_54 {
      %get3A_55 = arith.constant 0 : index
      %get3A_56 = arith.constant 0 : index
      %get3A_57 = vector.load %arg10[%get3A_55, %get3A_56] : memref<100x128xf32, #tpu.memory_space<vmem>>, vector<100x128xf32>
      %get3A_58 = arith.constant 0 : index
      %get3A_59 = arith.constant 0 : index
      %get3A_60 = vector.load %arg11[%get3A_58, %get3A_59] : memref<100x128xf32, #tpu.memory_space<vmem>>, vector<100x128xf32>
      %max3A = arith.constant 1.000000e+00 : f32
      %max3A_61 = vector.broadcast %max3A : f32 to vector<100x128xf32>
      %max3A_62 = arith.maximumf %get3A_60, %max3A_61 : vector<100x128xf32>
      %div3A = arith.divf %get3A_57, %max3A_62 : vector<100x128xf32>
      %get3A_63 = arith.constant 0 : index
      %get3A_64 = arith.constant 0 : index
      %get3A_65 = vector.load %arg6[%get3A_63, %get3A_64] : memref<128x10xf32, #tpu.memory_space<vmem>>, vector<128x10xf32>
      %dot_general3A_66 = arith.constant dense<0.000000e+00> : vector<100x10xf32>
      %dot_general3A_67 = tpu.matmul %div3A, %get3A_65, %dot_general3A_66 {dimension_numbers = #tpu.dot_dimension_numbers<[1], [0], [0], [1], [0, 0, 1, 1], [], []>, transpose_lhs_hint = false} : vector<100x128xf32>, vector<128x10xf32>, vector<100x10xf32> -> vector<100x10xf32>
      %get3A_68 = arith.constant 0 : index
      %get3A_69 = arith.constant 0 : index
      %get3A_70 = vector.load %arg7[%get3A_68, %get3A_69] : memref<1x10xf32, #tpu.memory_space<vmem>>, vector<1x10xf32>
      %add3A_71 = vector.broadcast %get3A_70 : vector<1x10xf32> to vector<100x10xf32>
      %add3A_72 = arith.addf %dot_general3A_67, %add3A_71 : vector<100x10xf32>
      %reduce_max3A = arith.constant dense<0xFF800000> : vector<100xf32>
      %reduce_max3A_73 = vector.multi_reduction <maximumf>, %add3A_72, %reduce_max3A [1] : vector<100x10xf32> to vector<100xf32>
      %broadcast_in_dim3A_74 = vector.shape_cast %reduce_max3A_73 : vector<100xf32> to vector<100x1xf32>
      %sub3A = vector.broadcast %broadcast_in_dim3A_74 : vector<100x1xf32> to vector<100x10xf32>
      %sub3A_75 = arith.subf %add3A_72, %sub3A : vector<100x10xf32>
      %exp3A = math.exp %sub3A_75 : vector<100x10xf32>
      %reduce_sum3A = arith.constant dense<0.000000e+00> : vector<100xf32>
      %reduce_sum3A_76 = vector.multi_reduction <add>, %exp3A, %reduce_sum3A [1] : vector<100x10xf32> to vector<100xf32>
      %broadcast_in_dim3A_77 = vector.shape_cast %reduce_sum3A_76 : vector<100xf32> to vector<100x1xf32>
      %log3A = math.log %broadcast_in_dim3A_77 : vector<100x1xf32>
      %swap3A = arith.constant 0 : index
      %swap3A_78 = arith.constant 0 : index
      %swap3A_79 = vector.load %arg8[%swap3A, %swap3A_78] : memref<100x10xf32, #tpu.memory_space<vmem>>, vector<100x10xf32>
      tpu.vector_store %arg8[%swap3A, %swap3A_78], %add3A_72 {strides = array<i32>} : memref<100x10xf32, #tpu.memory_space<vmem>>, vector<100x10xf32>,
      %sub3A_80 = vector.broadcast %broadcast_in_dim3A_74 : vector<100x1xf32> to vector<100x10xf32>
      %sub3A_81 = arith.subf %add3A_72, %sub3A_80 : vector<100x10xf32>
      %sub3A_82 = vector.broadcast %log3A : vector<100x1xf32> to vector<100x10xf32>
      %sub3A_83 = arith.subf %sub3A_81, %sub3A_82 : vector<100x10xf32>
      %swap3A_84 = arith.constant 0 : index
      %swap3A_85 = arith.constant 0 : index
      %swap3A_86 = vector.load %arg9[%swap3A_84, %swap3A_85] : memref<100x10xf32, #tpu.memory_space<vmem>>, vector<100x10xf32>
      tpu.vector_store %arg9[%swap3A_84, %swap3A_85], %sub3A_83 {strides = array<i32>} : memref<100x10xf32, #tpu.memory_space<vmem>>, vector<100x10xf32>,
    } else {
    }
    return
  }
  func.func @transform_0(%arg0: i32) -> (i32, i32, i32) {
    %c0_i32 = arith.constant 0 : i32
    %c0_i32_0 = arith.constant 0 : i32
    %c0_i32_1 = arith.constant 0 : i32
    return %c0_i32, %arg0, %c0_i32_0 : i32, i32, i32
  }
  func.func @transform_1(%arg0: i32) -> (i32, i32) {
    %c0_i32 = arith.constant 0 : i32
    %c0_i32_0 = arith.constant 0 : i32
    return %arg0, %c0_i32 : i32, i32
  }
  func.func @transform_2(%arg0: i32) -> (i32, i32, i32) {
    %c0_i32 = arith.constant 0 : i32
    %c0_i32_0 = arith.constant 0 : i32
    %c0_i32_1 = arith.constant 0 : i32
    return %c0_i32, %arg0, %c0_i32_0 : i32, i32, i32
  }
  func.func @transform_3(%arg0: i32) -> (i32, i32) {
    %c0_i32 = arith.constant 0 : i32
    %c0_i32_0 = arith.constant 0 : i32
    %c0_i32_1 = arith.constant 0 : i32
    return %c0_i32, %c0_i32_0 : i32, i32
  }
  func.func @transform_4(%arg0: i32) -> (i32, i32) {
    %c0_i32 = arith.constant 0 : i32
    %c0_i32_0 = arith.constant 0 : i32
    return %arg0, %c0_i32 : i32, i32
  }
  func.func @transform_5(%arg0: i32) -> (i32, i32) {
    %c0_i32 = arith.constant 0 : i32
    %c0_i32_0 = arith.constant 0 : i32
    %c0_i32_1 = arith.constant 0 : i32
    return %c0_i32, %c0_i32_0 : i32, i32
  }
  func.func @transform_6(%arg0: i32) -> (i32, i32) {
    %c0_i32 = arith.constant 0 : i32
    %c0_i32_0 = arith.constant 0 : i32
    %c0_i32_1 = arith.constant 0 : i32
    return %c0_i32, %c0_i32_0 : i32, i32
  }
  func.func @transform_7(%arg0: i32) -> (i32, i32) {
    %c0_i32 = arith.constant 0 : i32
    %c0_i32_0 = arith.constant 0 : i32
    %c0_i32_1 = arith.constant 0 : i32
    return %c0_i32, %c0_i32_0 : i32, i32
  }
  func.func @transform_8(%arg0: i32) -> (i32, i32) {
    %c0_i32 = arith.constant 0 : i32
    %c0_i32_0 = arith.constant 0 : i32
    %c0_i32_1 = arith.constant 0 : i32
    return %c0_i32, %c0_i32_0 : i32, i32
  }
}

</mosaic_0001>

<sc_bundles>
// kernel: kernel.10.cloned.1.call-start
scs
__scs_entry_jumppad:
0x0: {  	(pc) =	sbr.rel $0x88, $3  }
0x1: {  	(tag) =	ssettag $0x0;
	lr =	simm.s32 $0x1  }
0x2: {  	[smem:$0x3F90] =	sst lr;
	_ =	strace $0xD0000000  }
0x3: {  	_ = 	snop  }
0x4: {  	_ = 	snop  }
0x5: {  	_ = 	snop  }
0x6: {  	_ = 	snop  }
0x7: {  	_ = 	snop  }
__scs_overlays_trampoline_lowered:
0x8: {  	[smem:$0x3F9F] =	sst s0  }
0x9: {  	[smem:$0x3FA0] =	sst s1  }
0xa: {  	[smem:$0x3FA1] =	sst s2  }
0xb: {  	[smem:$0x3FA2] =	sst s3  }
0xc: {  	[smem:$0x3FA3] =	sst s4  }
0xd: {  	[smem:$0x3FA4] =	sst s5  }
0xe: {  	[smem:$0x3FA5] =	sst s6  }
0xf: {  	[smem:$0x3FA6] =	sst s7  }
0x10: {  	[smem:$0x3FA7] =	sst s8  }
0x11: {  	[smem:$0x3FA8] =	sst s9;
	s0 =	simm.s32 @!p0 $0x0  }
0x12: {  	s1 =	sld [smem:$0x3F8E];
	s0 =	simm.s32 @p0 $0x1  }
0x13: {  	[smem:$0x3FA9] =	sst s0;
	s0 =	simm.s32 @!p1 $0x0  }
0x14: {  	s2 =	sld [smem:$0x3F8D];
	s0 =	simm.s32 @p1 $0x1  }
0x15: {  	[smem:$0x3FAA] =	sst s0;
	s0 =	simm.s32 @!p2 $0x0  }
0x16: {  	s3 =	sld [smem:$0x3FDB];
	s0 =	simm.s32 @p2 $0x1  }
0x17: {  	s4 =	simm.s32 $0x1BF5;
	[smem:$0x3FAC] =	sst s0  }
0x18: {  	s0 =	sld [smem:$0x3F8F];
	_ =	swait.ge [sflag:s4], $0x0  }
0x19: {  	s7 =	sld [smem:$0x3F90]  }
0x1a: {  	s8 =	sadd.s32 $0xFFFFE003, lr  }
0x1b: {  	s9 =	sadd.s32 $0xFFFFFEF7, lr;
	s5 =	simm.s32 $0xFFFFFFFF;
	p2 =	slt.u32 s8, $0xFFFFF086  }
0x1c: {  	p1 =	slt.u32 s9, $0xF7A;
	s5 =	simm.s32 @!p2 $0x0  }
0x1d: {  	s5 =	simm.s32 @p1 $0x1;
	p0 =	seq.s32 s7, s2  }
0x1e: {  	s7 =	smul.u32 @!p0 $0xF7A, s2;
	p2 =	seq.s32 @!p0 s5, $0x0  }
0x1f: {  	s9 =	smul.u32 $0xF7A, s1;
	s8 =	simm.s32 @!p0 $0x1BF5;
	p2 =	por !p2, p0  }
0x20: {  	[sflag:s8] =	ssyncset.s32 @!p0 $0xFFFFF086;
	s6 =	sadd.s32 @!p0 s3, s7;
	s7 =	simm.s32 @!p0 $0x108  }
0x21: {  	s3 =	sadd.s32 s3, s9;
	s6 =	sadd.s32 @!p0 $0x88, s6;
	s7 =	simm.s32 @p2 $0x1082  }
0x22: {  	[simem:s7], [sflag:s8] =	dma.local @!p0 [hbm:s6], $0xF7A  }
0x23: {  	s9 =	sor.u32 $0xD0000000, s2;
	s6 =	simm.s32 $0x108;
	_ =	swait.ge @!p0 [sflag:s8], $0x0  }
0x24: {  	s3 =	sadd.s32 $0x88, s3;
	s6 =	simm.s32 @!p1 $0x1082;
	[sflag:s4] =	ssyncset.s32 $0xFFFFF086  }
0x25: {  	[simem:s6], [sflag:s4] =	dma.local [hbm:s3], $0xF7A  }
0x26: {  	[smem:$0x3F90] =	sst s1;
	(tag) =	ssettag s2;
	_ =	strace s9  }
0x27: {  	s1 =	sld [smem:$0x3FA0]  }
0x28: {  	s2 =	sld [smem:$0x3FA1]  }
0x29: {  	s4 =	sld [smem:$0x3FA3]  }
0x2a: {  	p0 =	seq.s32 s5, $0x0;
	s5 =	sld [smem:$0x3FA4]  }
0x2b: {  	s6 =	sld [smem:$0x3FA5]  }
0x2c: {  	s7 =	sld [smem:$0x3FA6]  }
0x2d: {  	s3 =	simm.s32 $0x108;
	s8 =	sld [smem:$0x3FA7]  }
0x2e: {  	s3 =	simm.s32 @!p0 $0x1082;
	s9 =	sld [smem:$0x3FA8]  }
0x2f: {  	lr =	sadd.s32 s0, s3;
	s0 =	sld [smem:$0x3F9F]  }
0x30: {  	s3 =	sld [smem:$0x3FA2]  }
0x31: {  	[smem:$0x3FAB] =	sst s10  }
0x32: {  	s10 =	sld [smem:$0x3FA9];
	_ =	sdelay $0x3  }
0x33: {  	p0 =	seq.s32 s10, $0x1;
	s10 =	sld [smem:$0x3FAB];
	_ =	sdelay $0x3  }
0x34: {  	[smem:$0x3FAB] =	sst s10  }
0x35: {  	s10 =	sld [smem:$0x3FAA];
	_ =	sdelay $0x3  }
0x36: {  	p1 =	seq.s32 s10, $0x1;
	s10 =	sld [smem:$0x3FAB];
	_ =	sdelay $0x3  }
0x37: {  	[smem:$0x3FAB] =	sst s10  }
0x38: {  	s10 =	sld [smem:$0x3FAC]  }
0x39: {  	_ = 	snop;
	(pc) =	sbr.ind lr, $3  }
0x3a: {  	_ = 	snop  }
0x3b: {  	_ = 	snop  }
0x3c: {  	p2 =	seq.s32 s10, $0x1;
	s10 =	sld [smem:$0x3FAB]  }
0x3d: {  	_ =	shalt  }
0x3e: {  	_ =	shalt  }
0x3f: {  	_ =	shalt  }
0x40: {  	_ =	shalt  }
0x41: {  	_ =	shalt  }
0x42: {  	_ =	shalt  }
0x43: {  	_ =	shalt  }
0x44: {  	_ =	shalt  }
0x45: {  	_ =	shalt  }
0x46: {  	_ =	shalt  }
0x47: {  	_ =	shalt  }
0x48: {  	_ =	shalt  }
0x49: {  	_ =	shalt  }
0x4a: {  	_ =	shalt  }
0x4b: {  	_ =	shalt  }
0x4c: {  	_ =	shalt  }
0x4d: {  	_ =	shalt  }
0x4e: {  	_ =	shalt  }
0x4f: {  	_ =	shalt  }
0x50: {  	_ =	shalt  }
0x51: {  	_ =	shalt  }
0x52: {  	_ =	shalt  }
0x53: {  	_ =	shalt  }
0x54: {  	_ =	shalt  }
0x55: {  	_ =	shalt  }
0x56: {  	_ =	shalt  }
0x57: {  	_ =	shalt  }
0x58: {  	_ =	shalt  }
0x59: {  	_ =	shalt  }
0x5a: {  	_ =	shalt  }
0x5b: {  	_ =	shalt  }
0x5c: {  	_ =	shalt  }
0x5d: {  	_ =	shalt  }
0x5e: {  	_ =	shalt  }
0x5f: {  	_ =	shalt  }
0x60: {  	_ =	shalt  }
0x61: {  	_ =	shalt  }
0x62: {  	_ =	shalt  }
0x63: {  	_ =	shalt  }
0x64: {  	_ =	shalt  }
0x65: {  	_ =	shalt  }
0x66: {  	_ =	shalt  }
0x67: {  	_ =	shalt  }
0x68: {  	_ =	shalt  }
0x69: {  	_ =	shalt  }
0x6a: {  	_ =	shalt  }
0x6b: {  	_ =	shalt  }
0x6c: {  	_ =	shalt  }
0x6d: {  	_ =	shalt  }
0x6e: {  	_ =	shalt  }
0x6f: {  	_ =	shalt  }
0x70: {  	_ =	shalt  }
0x71: {  	_ =	shalt  }
0x72: {  	_ =	shalt  }
0x73: {  	_ =	shalt  }
0x74: {  	_ =	shalt  }
0x75: {  	_ =	shalt  }
0x76: {  	_ =	shalt  }
0x77: {  	_ =	shalt  }
0x78: {  	_ =	shalt  }
0x79: {  	_ =	shalt  }
0x7a: {  	_ =	shalt  }
0x7b: {  	_ =	shalt  }
0x7c: {  	_ =	shalt  }
0x7d: {  	_ =	shalt  }
0x7e: {  	_ =	shalt  }
0x7f: {  	_ =	shalt  }
0x80: {  	_ =	shalt  }
0x81: {  	_ =	shalt  }
0x82: {  	_ =	shalt  }
0x83: {  	_ =	shalt  }
0x84: {  	_ =	shalt  }
0x85: {  	_ =	shalt  }
0x86: {  	_ =	shalt  }
0x87: {  	_ =	shalt  }
.Lfunc_end0:
.L_simem_size_0:
called_computation_lowered:
.L_overlay_start_0:
0x88: {  	s2 =	sld [smem:$0x3FD9]  }
0x89: {  	s3 =	sld [smem:$0x3FFE];
	_ =	sdelay $0x1  }
0x8a: {  	s1 =	srdreg.scid  }
0x8b: {  	s0 =	sand.u32 $0x1, s1  }
0x8c: {  	s16 =	sshll.u32 s0, $0xA;
	s2 =	sadd.s32 s3, s2  }
0x8d: {  	s2 =	sadd.s32 s2, s16  }
0x8e: {  	[smem:$0x3FB7] =	sst s2  }
0x8f: {  	_ = 	snop  }
0x90: {  	(tm) =	ssettm $0x1  }
0x91: {  	s17 =	sld [smem:$0x3FFB];
	_ =	sdelay $0x3  }
0x92: {  	_ =	strace s17  }
0x93: {  	s2 =	sld [smem:$0x3FFC];
	_ =	sdelay $0x3  }
0x94: {  	_ =	strace s2  }
0x95: {  	s2 =	sld [smem:$0x3FFD];
	_ =	sdelay $0x3  }
0x96: {  	_ =	strace s2  }
0x97: {  	_ =	strace $0x8FFFFFFF  }
0x98: {  	s18 =	sld [smem:$0x3FDB];
	_ =	sdelay $0x1  }
0x99: {  	s19 =	simm.s32 $_scs_section_size  }
0x9a: {  	s4 =	simm.s32 $_size__tile_overlayer_lowered;
	s5 =	simm.s32 $_tile_overlayer_lowered  }
0x9b: {  	s22 =	simm.s32 $0x1BFF;
	s21 =	sshll.u32 s5, $0x1;
	s2 =	sadd.s32 s19, s18  }
0x9c: {  	s6 =	simm.s32 $0x0;
	s20 =	sshll.u32 s4, $0x1;
	s4 =	sadd.s32 s21, s2  }
0x9d: {  	[timem:s6], [sflag:s22] =	dma.local [hbm:s4], s20  }
0x9e: {  	_ =	swait.ge [sflag:s22], s20  }
0x9f: {  	s3 =	ssub.s32 $0x0, s20;
	[sflag:s22] =	ssyncset.done $0x0  }
0xa0: {  	[sflag:s22] =	ssyncadd.s32 s3;
	_ =	sdelay $0x1  }
0xa1: {  	s23 =	simm.s32 $0x1B8B  }
0xa2: {  	_ =	swait.ge [sflag:s23], $0x1  }
0xa3: {  	[sflag:s23] =	ssyncset.done $0x0  }
0xa4: {  	s25 =	simm.s32 $0x1B8E;
	s24 =	sld [smem:$0x3FFE];
	[sflag:s23] =	ssyncadd.s32 $0xFFFFFFFF  }
0xa5: {  	s26 =	simm.s32 $execute0_lowered;
	[smem:$0x3FD2] =	sst s25  }
0xa6: {  	s4 =	sshll.u32 s26, $0x1;
	_ =	strace $0x80000046;
	[dreg:$0x1] =	wrdreg $0xFFFFFFFF  }
0xa7: {  	s28 =	simm.s32 $_size_execute0_lowered;
	s2 =	sadd.s32 s2, s4;
	[dreg:$0x0] =	wrdreg $0x0  }
0xa8: {  	s4 =	sshll.u32 s28, $0x1;
	[dreg:$0x2] =	wrdreg s2  }
0xa9: {  	[dreg:$0x3] =	wrdreg s4  }
0xaa: {  	[dreg:$0x4] =	wrdreg $0xC0  }
0xab: {  	_ =	task [dreg:s6], $0x5FFFF  }
0xac: {  	[dreg:$0x1] =	wrdreg $0xFFFFFFFF  }
0xad: {  	[dreg:$0x0] =	wrdreg $0x60  }
0xae: {  	[dreg:$0x2] =	wrdreg s24  }
0xaf: {  	[dreg:$0x3] =	wrdreg $0x68000  }
0xb0: {  	[dreg:$0x4] =	wrdreg $0x9  }
0xb1: {  	_ =	task.clear_ibuf [dreg:s6], $0x5FFFF;
	_ =	strace $0x90000046  }
0xb2: {  	s29 =	simm.s32 $0x9;
	_ =	strace $0x80000048  }
0xb3: {  	_ =	swait.ge [sflag:s29], $0x1  }
0xb4: {  	[sflag:s29] =	ssyncadd.s32 $0xFFFFFFFF  }
0xb5: {  	_ =	strace $0x90000048  }
0xb6: {  	_ =	sfence  }
0xb7: {  	s30 =	sld [smem:$0x0];
	_ =	sdelay $0x2  }
0xb8: {  	s31 =	sshll.u32 s1, $0xD;
	s1 =	sshrl.u32 s1, $0x2  }
0xb9: {  	s3 =	sand.u32 $0x4000, s31;
	s1 =	sadd.s32 s1, s30  }
0xba: {  	s0 =	sor.u32 s3, s0;
	s1 =	sshll.u32 s1, $0x11  }
0xbb: {  	s0 =	sor.u32 s1, s0  }
0xbc: {  	s0 =	sadd.s32 $0x8F2B, s0  }
0xbd: {  	[sflag:s0] =	ssyncadd.remote.s32 $0x1  }
0xbe: {  	_ =	sfence.sel $0xFFFF  }
0xbf: {  	[dreg:$0x0] =	wrdreg $0xFFFFFFFF;
	(pc) =	sbr.abs _section_cstart, $3  }
0xc0: {  	[dreg:$0x1] =	wrdreg $0xFFFFFFFF  }
0xc1: {  	_ =	task.clear_ibuf [dreg:s6], $0x2FFFF;
	_ =	strace $0x9FFFFFFF  }
0xc2: {  	(tm) =	ssettm $0x7FFFFFFF  }
0xc3: {  	_ =	shalt  }
tec
execute0_lowered:
.L_overlay_start_1:
0x0: {  	(tag) =	ssettag $0x1  }
0x1: {  	s7 =	rddreg [dreg:$0x0]  }
0x2: {  	s0 =	srdreg.scid;
	s2 =	rddreg [dreg:$0x1]  }
0x3: {  	s3 =	simm.s32 $0x0;
	s12 =	simm.s32 $0x2800;
	s6 =	sand.u32 $0x1, s0  }
0x4: {  	s13 =	simm.s32 $0x7D;
	s0 =	stileid.u32;
	s5 =	smul.u32 $0x140000, s6  }
0x5: {  	s14 =	simm.s32 $0x0;
	[smem:$0x7FF] =	sst s3;
	s8 =	smul.u32 $0x14000, s0  }
0x6: {  	s1 =	sshll.u32 s6, $0x4;
	s10 =	smul.u32 $0x50000, s0;
	s6 =	ssub.s32 $0x2, s6  }
0x7: {  	s31 =	sshll.u32 s0, $0x6;
	s1 =	sor.u32 s0, s1;
	s30 =	sshrl.u32 s6, $0x1  }
0x8: {  	s4 =	smul.u32 $0x500, s1;
	s1 =	rddreg [dreg:$0x2];
	_ =	strace $0x80000047  }
0x9: {  	s8 =	sadd.s32 s8, s5;
	s5 =	sadd.s32 $0x10C00, s7;
	s10 =	sshrl.u32 s10, $0x2  }
0xa: {  	s11 =	ssub.s32 s6, s30;
	s6 =	sor.u32 $0x1C01, s31;
	s8 =	sshrl.u32 s8, $0x3  }
0xb: {  	s10 =	sadd.s32 s10, s2;
	s9 =	sadd.s32 s4, s7;
	s4 =	sadd.s32 $0xE400, s7  }
0xc: {  	s8 =	sadd.s32 s8, s7;
	s10 =	sshrl.u32 s10, $0x3;
	s7 =	sadd.s32 $0x4400, s9  }
0xd: {  	s8 =	sadd.s32 $0x11400, s8;
	s9 =	smax.u32 s11, $0x1;
	s11 =	simm.s32 $0x1  }
.LBB2_1:
0xe: {  	[spmem:s10], [sflag:s6] =	dma.local [hbm:s4], $0x2800  }
0xf: {  	_ =	swait.ge [sflag:s11], $0x2800  }
0x10: {  	[sflag:s11] =	ssyncset.done $0x0  }
0x11: {  	[sflag:s11] =	ssyncadd.s32 $0xFFFFD800  }
0x12: {  	[tilespmem:s3], [sflag:$0x1] =	stream.linear.gather [hbm4b:s7+s3], $0x2800, $0x38;
	[tilespmem:$0x1A800] =	vst v63  }
0x13: {  	_ =	swait.ge [sflag:s11], $0x2800  }
0x14: {  	[sflag:s11] =	ssyncset.done $0x0  }
0x15: {  	[sflag:s11] =	ssyncadd.s32 $0xFFFFD800  }
0x16: {  	[tilespmem:s12], [sflag:$0x1] =	stream.linear.gather [hbm4b:s5+s3], $0x3E80, $0x38;
	[tilespmem:$0x1A800] =	vst v63  }
0x17: {  	_ =	swait.ge [sflag:s11], $0x3E80  }
0x18: {  	[sflag:s11] =	ssyncset.done $0x0  }
0x19: {  	[sflag:s11] =	ssyncadd.s32 $0xFFFFC180  }
0x1a: {  	s15 =	simm.s32 $0x0;
	[bflag:$0x0] =	sbarrier.arrive $0xFFFF  }
0x1b: {  	[spmem:s2] =	stream.indirect.scatter.add.f32 [tilespmem:s12], [sflag:$0x1], $0x80, s15, s13, $0xb8;
	[tilespmem:$0x1A800] =	vst v63  }
0x1c: {  	_ =	swait.ge [sflag:s11], $0x3E80  }
0x1d: {  	s15 =	simm.s32 $0x200;
	[sflag:s11] =	ssyncset.done $0x0  }
.LBB2_2:
0x1e: {  	s16 =	sshra.s32 s15, $0x2;
	[sflag:s11] =	ssyncadd.s32 $0xFFFFC180;
	p0 =	sne.s32 s15, $0x9E00  }
0x1f: {  	[spmem:s2] =	stream.indirect.scatter.add.f32 [tilespmem:s12], [sflag:$0x1], $0x80, s16, s13, $0xb8;
	[tilespmem:$0x1A800] =	vst v63  }
.Ltmp0:
0x20: {  	_ = 	snop;
	(pc) =	sbr.rel @p0 .LBB2_2-.Ltmp0, $4  }
0x21: {  	_ = 	snop  }
0x22: {  	s15 =	sadd.s32 $0x200, s15  }
0x23: {  	_ =	swait.ge [sflag:s11], $0x3E80  }
0x24: {  	[sflag:s11] =	ssyncset.done $0x0  }
0x25: {  	s14 =	sadd.s32 $0x1, s14  }
0x26: {  	[sflag:s11] =	ssyncadd.s32 $0xFFFFC180;
	p0 =	sne.s32 s14, s9  }
.Ltmp1:
0x27: {  	[bflag:$0x0] =	sbarrier.arrive $0xFFFF;
	(pc) =	sbr.rel @p0 .LBB2_1-.Ltmp1, $4  }
0x28: {  	[hbm:s8], [sflag:s6] =	dma.local [spmem:s10], $0x2800  }
0x29: {  	_ =	swait.ge [sflag:s11], $0x2800  }
0x2a: {  	[sflag:s11] =	ssyncset.done $0x0  }
0x2b: {  	[sflag:s11] =	ssyncadd.s32 $0xFFFFD800  }
0x2c: {  	_ =	sfence.sel $0x180000  }
0x2d: {  	[bflag:$0x0] =	sbarrier.arrive $0xFFFF  }
0x2e: {  	p0 =	sne.s32 s0, $0x0;
	_ =	strace $0x90000047  }
0x2f: {  	s0 =	sadd.s32 @!p0 $0x100000, s1;
	[bflag:$0x2] =	sbarrier.arrive $0xFFFF  }
0x30: {  	[sflag:s0] =	ssyncadd.tile.s32 @!p0 $0x1;
	_ =	shalt  }
.Lfunc_end2:
_tile_overlayer_lowered:
.L_overlay_start_2:
0x31: {  	(tag) =	ssettag $0x2  }
0x32: {  	s0 =	rddreg [dreg:$0x0];
	s2 =	stileid.u32  }
0x33: {  	s1 =	rddreg [dreg:$0x1];
	p0 =	sne.s32 s2, $0x0  }
0x34: {  	s3 =	rddreg [dreg:$0x2];
	[bflag:$0x3] =	sbarrier.arrive $0xFFFF;
	s2 =	simm.s32 @!p0 $0x1C01  }
0x35: {  	[timem:s3], [sflag:s2] =	dma.local @!p0 [hbm:s0], s1  }
0x36: {  	s0 =	simm.s32 @!p0 $0x1  }
0x37: {  	_ =	swait.ge @!p0 [sflag:s0], s1  }
0x38: {  	s1 =	ssub.s32 @!p0 $0x0, s1;
	[sflag:s0] =	ssyncset.done @!p0 $0x0  }
0x39: {  	[sflag:s0] =	ssyncadd.s32 @!p0 s1  }
0x3a: {  	[bflag:$0x3] =	sbarrier.arrive $0xFFFF  }
0x3b: {  	_ =	shalt  }

// kernel: kernel.13.cloned.1.call-start
scs
__scs_entry_jumppad:
0x0: {  	(pc) =	sbr.rel $0x88, $3  }
0x1: {  	(tag) =	ssettag $0x0;
	lr =	simm.s32 $0x1  }
0x2: {  	[smem:$0x3F90] =	sst lr;
	_ =	strace $0xD0000000  }
0x3: {  	_ = 	snop  }
0x4: {  	_ = 	snop  }
0x5: {  	_ = 	snop  }
0x6: {  	_ = 	snop  }
0x7: {  	_ = 	snop  }
__scs_overlays_trampoline_lowered:
0x8: {  	[smem:$0x3F9F] =	sst s0  }
0x9: {  	[smem:$0x3FA0] =	sst s1  }
0xa: {  	[smem:$0x3FA1] =	sst s2  }
0xb: {  	[smem:$0x3FA2] =	sst s3  }
0xc: {  	[smem:$0x3FA3] =	sst s4  }
0xd: {  	[smem:$0x3FA4] =	sst s5  }
0xe: {  	[smem:$0x3FA5] =	sst s6  }
0xf: {  	[smem:$0x3FA6] =	sst s7  }
0x10: {  	[smem:$0x3FA7] =	sst s8  }
0x11: {  	[smem:$0x3FA8] =	sst s9;
	s0 =	simm.s32 @!p0 $0x0  }
0x12: {  	s1 =	sld [smem:$0x3F8E];
	s0 =	simm.s32 @p0 $0x1  }
0x13: {  	[smem:$0x3FA9] =	sst s0;
	s0 =	simm.s32 @!p1 $0x0  }
0x14: {  	s2 =	sld [smem:$0x3F8D];
	s0 =	simm.s32 @p1 $0x1  }
0x15: {  	[smem:$0x3FAA] =	sst s0;
	s0 =	simm.s32 @!p2 $0x0  }
0x16: {  	s3 =	sld [smem:$0x3FDB];
	s0 =	simm.s32 @p2 $0x1  }
0x17: {  	s4 =	simm.s32 $0x1BF5;
	[smem:$0x3FAC] =	sst s0  }
0x18: {  	s0 =	sld [smem:$0x3F8F];
	_ =	swait.ge [sflag:s4], $0x0  }
0x19: {  	s7 =	sld [smem:$0x3F90]  }
0x1a: {  	s8 =	sadd.s32 $0xFFFFE003, lr  }
0x1b: {  	s9 =	sadd.s32 $0xFFFFFEF7, lr;
	s5 =	simm.s32 $0xFFFFFFFF;
	p2 =	slt.u32 s8, $0xFFFFF086  }
0x1c: {  	p1 =	slt.u32 s9, $0xF7A;
	s5 =	simm.s32 @!p2 $0x0  }
0x1d: {  	s5 =	simm.s32 @p1 $0x1;
	p0 =	seq.s32 s7, s2  }
0x1e: {  	s7 =	smul.u32 @!p0 $0xF7A, s2;
	p2 =	seq.s32 @!p0 s5, $0x0  }
0x1f: {  	s9 =	smul.u32 $0xF7A, s1;
	s8 =	simm.s32 @!p0 $0x1BF5;
	p2 =	por !p2, p0  }
0x20: {  	[sflag:s8] =	ssyncset.s32 @!p0 $0xFFFFF086;
	s6 =	sadd.s32 @!p0 s3, s7;
	s7 =	simm.s32 @!p0 $0x108  }
0x21: {  	s3 =	sadd.s32 s3, s9;
	s6 =	sadd.s32 @!p0 $0x88, s6;
	s7 =	simm.s32 @p2 $0x1082  }
0x22: {  	[simem:s7], [sflag:s8] =	dma.local @!p0 [hbm:s6], $0xF7A  }
0x23: {  	s9 =	sor.u32 $0xD0000000, s2;
	s6 =	simm.s32 $0x108;
	_ =	swait.ge @!p0 [sflag:s8], $0x0  }
0x24: {  	s3 =	sadd.s32 $0x88, s3;
	s6 =	simm.s32 @!p1 $0x1082;
	[sflag:s4] =	ssyncset.s32 $0xFFFFF086  }
0x25: {  	[simem:s6], [sflag:s4] =	dma.local [hbm:s3], $0xF7A  }
0x26: {  	[smem:$0x3F90] =	sst s1;
	(tag) =	ssettag s2;
	_ =	strace s9  }
0x27: {  	s1 =	sld [smem:$0x3FA0]  }
0x28: {  	s2 =	sld [smem:$0x3FA1]  }
0x29: {  	s4 =	sld [smem:$0x3FA3]  }
0x2a: {  	p0 =	seq.s32 s5, $0x0;
	s5 =	sld [smem:$0x3FA4]  }
0x2b: {  	s6 =	sld [smem:$0x3FA5]  }
0x2c: {  	s7 =	sld [smem:$0x3FA6]  }
0x2d: {  	s3 =	simm.s32 $0x108;
	s8 =	sld [smem:$0x3FA7]  }
0x2e: {  	s3 =	simm.s32 @!p0 $0x1082;
	s9 =	sld [smem:$0x3FA8]  }
0x2f: {  	lr =	sadd.s32 s0, s3;
	s0 =	sld [smem:$0x3F9F]  }
0x30: {  	s3 =	sld [smem:$0x3FA2]  }
0x31: {  	[smem:$0x3FAB] =	sst s10  }
0x32: {  	s10 =	sld [smem:$0x3FA9];
	_ =	sdelay $0x3  }
0x33: {  	p0 =	seq.s32 s10, $0x1;
	s10 =	sld [smem:$0x3FAB];
	_ =	sdelay $0x3  }
0x34: {  	[smem:$0x3FAB] =	sst s10  }
0x35: {  	s10 =	sld [smem:$0x3FAA];
	_ =	sdelay $0x3  }
0x36: {  	p1 =	seq.s32 s10, $0x1;
	s10 =	sld [smem:$0x3FAB];
	_ =	sdelay $0x3  }
0x37: {  	[smem:$0x3FAB] =	sst s10  }
0x38: {  	s10 =	sld [smem:$0x3FAC]  }
0x39: {  	_ = 	snop;
	(pc) =	sbr.ind lr, $3  }
0x3a: {  	_ = 	snop  }
0x3b: {  	_ = 	snop  }
0x3c: {  	p2 =	seq.s32 s10, $0x1;
	s10 =	sld [smem:$0x3FAB]  }
0x3d: {  	_ =	shalt  }
0x3e: {  	_ =	shalt  }
0x3f: {  	_ =	shalt  }
0x40: {  	_ =	shalt  }
0x41: {  	_ =	shalt  }
0x42: {  	_ =	shalt  }
0x43: {  	_ =	shalt  }
0x44: {  	_ =	shalt  }
0x45: {  	_ =	shalt  }
0x46: {  	_ =	shalt  }
0x47: {  	_ =	shalt  }
0x48: {  	_ =	shalt  }
0x49: {  	_ =	shalt  }
0x4a: {  	_ =	shalt  }
0x4b: {  	_ =	shalt  }
0x4c: {  	_ =	shalt  }
0x4d: {  	_ =	shalt  }
0x4e: {  	_ =	shalt  }
0x4f: {  	_ =	shalt  }
0x50: {  	_ =	shalt  }
0x51: {  	_ =	shalt  }
0x52: {  	_ =	shalt  }
0x53: {  	_ =	shalt  }
0x54: {  	_ =	shalt  }
0x55: {  	_ =	shalt  }
0x56: {  	_ =	shalt  }
0x57: {  	_ =	shalt  }
0x58: {  	_ =	shalt  }
0x59: {  	_ =	shalt  }
0x5a: {  	_ =	shalt  }
0x5b: {  	_ =	shalt  }
0x5c: {  	_ =	shalt  }
0x5d: {  	_ =	shalt  }
0x5e: {  	_ =	shalt  }
0x5f: {  	_ =	shalt  }
0x60: {  	_ =	shalt  }
0x61: {  	_ =	shalt  }
0x62: {  	_ =	shalt  }
0x63: {  	_ =	shalt  }
0x64: {  	_ =	shalt  }
0x65: {  	_ =	shalt  }
0x66: {  	_ =	shalt  }
0x67: {  	_ =	shalt  }
0x68: {  	_ =	shalt  }
0x69: {  	_ =	shalt  }
0x6a: {  	_ =	shalt  }
0x6b: {  	_ =	shalt  }
0x6c: {  	_ =	shalt  }
0x6d: {  	_ =	shalt  }
0x6e: {  	_ =	shalt  }
0x6f: {  	_ =	shalt  }
0x70: {  	_ =	shalt  }
0x71: {  	_ =	shalt  }
0x72: {  	_ =	shalt  }
0x73: {  	_ =	shalt  }
0x74: {  	_ =	shalt  }
0x75: {  	_ =	shalt  }
0x76: {  	_ =	shalt  }
0x77: {  	_ =	shalt  }
0x78: {  	_ =	shalt  }
0x79: {  	_ =	shalt  }
0x7a: {  	_ =	shalt  }
0x7b: {  	_ =	shalt  }
0x7c: {  	_ =	shalt  }
0x7d: {  	_ =	shalt  }
0x7e: {  	_ =	shalt  }
0x7f: {  	_ =	shalt  }
0x80: {  	_ =	shalt  }
0x81: {  	_ =	shalt  }
0x82: {  	_ =	shalt  }
0x83: {  	_ =	shalt  }
0x84: {  	_ =	shalt  }
0x85: {  	_ =	shalt  }
0x86: {  	_ =	shalt  }
0x87: {  	_ =	shalt  }
.Lfunc_end0:
.L_simem_size_0:
called_computation.1_lowered:
.L_overlay_start_0:
0x88: {  	s2 =	sld [smem:$0x3FD9]  }
0x89: {  	s3 =	sld [smem:$0x3FFE];
	_ =	sdelay $0x1  }
0x8a: {  	s1 =	srdreg.scid  }
0x8b: {  	s0 =	sand.u32 $0x1, s1  }
0x8c: {  	s16 =	sshll.u32 s0, $0xA;
	s2 =	sadd.s32 s3, s2  }
0x8d: {  	s2 =	sadd.s32 s2, s16  }
0x8e: {  	[smem:$0x3FB7] =	sst s2  }
0x8f: {  	_ = 	snop  }
0x90: {  	(tm) =	ssettm $0x1  }
0x91: {  	s17 =	sld [smem:$0x3FFB];
	_ =	sdelay $0x3  }
0x92: {  	_ =	strace s17  }
0x93: {  	s2 =	sld [smem:$0x3FFC];
	_ =	sdelay $0x3  }
0x94: {  	_ =	strace s2  }
0x95: {  	s2 =	sld [smem:$0x3FFD];
	_ =	sdelay $0x3  }
0x96: {  	_ =	strace s2  }
0x97: {  	_ =	strace $0x8FFFFFFF  }
0x98: {  	s18 =	sld [smem:$0x3FDB];
	_ =	sdelay $0x1  }
0x99: {  	s19 =	simm.s32 $_scs_section_size  }
0x9a: {  	s4 =	simm.s32 $_size__tile_overlayer_lowered;
	s5 =	simm.s32 $_tile_overlayer_lowered  }
0x9b: {  	s22 =	simm.s32 $0x1BFF;
	s21 =	sshll.u32 s5, $0x1;
	s2 =	sadd.s32 s19, s18  }
0x9c: {  	s6 =	simm.s32 $0x0;
	s20 =	sshll.u32 s4, $0x1;
	s4 =	sadd.s32 s21, s2  }
0x9d: {  	[timem:s6], [sflag:s22] =	dma.local [hbm:s4], s20  }
0x9e: {  	_ =	swait.ge [sflag:s22], s20  }
0x9f: {  	s3 =	ssub.s32 $0x0, s20;
	[sflag:s22] =	ssyncset.done $0x0  }
0xa0: {  	[sflag:s22] =	ssyncadd.s32 s3;
	_ =	sdelay $0x1  }
0xa1: {  	s23 =	simm.s32 $0x1B8B  }
0xa2: {  	_ =	swait.ge [sflag:s23], $0x1  }
0xa3: {  	[sflag:s23] =	ssyncset.done $0x0  }
0xa4: {  	s25 =	simm.s32 $0x1B8E;
	s24 =	sld [smem:$0x3FFE];
	[sflag:s23] =	ssyncadd.s32 $0xFFFFFFFF  }
0xa5: {  	s26 =	simm.s32 $execute0_lowered;
	[smem:$0x3FD2] =	sst s25  }
0xa6: {  	s4 =	sshll.u32 s26, $0x1;
	_ =	strace $0x80000049;
	[dreg:$0x1] =	wrdreg $0xFFFFFFFF  }
0xa7: {  	s28 =	simm.s32 $_size_execute0_lowered;
	s2 =	sadd.s32 s2, s4;
	[dreg:$0x0] =	wrdreg $0x0  }
0xa8: {  	s4 =	sshll.u32 s28, $0x1;
	[dreg:$0x2] =	wrdreg s2  }
0xa9: {  	[dreg:$0x3] =	wrdreg s4  }
0xaa: {  	[dreg:$0x4] =	wrdreg $0xC0  }
0xab: {  	_ =	task [dreg:s6], $0x5FFFF  }
0xac: {  	[dreg:$0x1] =	wrdreg $0xFFFFFFFF  }
0xad: {  	[dreg:$0x0] =	wrdreg $0x60  }
0xae: {  	[dreg:$0x2] =	wrdreg s24  }
0xaf: {  	[dreg:$0x3] =	wrdreg $0x90000  }
0xb0: {  	[dreg:$0x4] =	wrdreg $0x9  }
0xb1: {  	_ =	task.clear_ibuf [dreg:s6], $0x5FFFF;
	_ =	strace $0x90000049  }
0xb2: {  	s29 =	simm.s32 $0x9;
	_ =	strace $0x8000004B  }
0xb3: {  	_ =	swait.ge [sflag:s29], $0x1  }
0xb4: {  	[sflag:s29] =	ssyncadd.s32 $0xFFFFFFFF  }
0xb5: {  	_ =	strace $0x9000004B  }
0xb6: {  	_ =	sfence  }
0xb7: {  	s30 =	sld [smem:$0x0];
	_ =	sdelay $0x2  }
0xb8: {  	s31 =	sshll.u32 s1, $0xD;
	s1 =	sshrl.u32 s1, $0x2  }
0xb9: {  	s3 =	sand.u32 $0x4000, s31;
	s1 =	sadd.s32 s1, s30  }
0xba: {  	s0 =	sor.u32 s3, s0;
	s1 =	sshll.u32 s1, $0x11  }
0xbb: {  	s0 =	sor.u32 s1, s0  }
0xbc: {  	s0 =	sadd.s32 $0x8F2B, s0  }
0xbd: {  	[sflag:s0] =	ssyncadd.remote.s32 $0x1  }
0xbe: {  	_ =	sfence.sel $0xFFFF  }
0xbf: {  	[dreg:$0x0] =	wrdreg $0xFFFFFFFF;
	(pc) =	sbr.abs _section_cstart, $3  }
0xc0: {  	[dreg:$0x1] =	wrdreg $0xFFFFFFFF  }
0xc1: {  	_ =	task.clear_ibuf [dreg:s6], $0x2FFFF;
	_ =	strace $0x9FFFFFFF  }
0xc2: {  	(tm) =	ssettm $0x7FFFFFFF  }
0xc3: {  	_ =	shalt  }
tec
execute0_lowered:
.L_overlay_start_1:
0x0: {  	(tag) =	ssettag $0x1  }
0x1: {  	s7 =	rddreg [dreg:$0x0]  }
0x2: {  	s0 =	srdreg.scid;
	s2 =	rddreg [dreg:$0x1]  }
0x3: {  	s3 =	simm.s32 $0x0;
	s14 =	simm.s32 $0x7D;
	s15 =	simm.s32 $0x5000  }
0x4: {  	s16 =	simm.s32 $0x1;
	s6 =	sand.u32 $0x1, s0;
	s0 =	stileid.u32  }
0x5: {  	s17 =	simm.s32 $0x0;
	[smem:$0x7FF] =	sst s3;
	s8 =	smul.u32 $0x140000, s6  }
0x6: {  	s4 =	sadd.s32 $0x6B400, s7;
	s1 =	sshll.u32 s6, $0x4;
	s9 =	smul.u32 $0x14000, s0  }
0x7: {  	s28 =	smul.u32 $0x50000, s0;
	s6 =	ssub.s32 $0x2, s6;
	s1 =	sor.u32 s0, s1  }
0x8: {  	s31 =	sshll.u32 s0, $0x6;
	s29 =	sshrl.u32 s6, $0x1;
	s5 =	smul.u32 $0x500, s1  }
0x9: {  	s1 =	rddreg [dreg:$0x2];
	_ =	strace $0x8000004A;
	s8 =	sadd.s32 s9, s8  }
0xa: {  	s30 =	sshrl.u32 s28, $0x2;
	s12 =	ssub.s32 s6, s29;
	s6 =	sor.u32 $0x1C02, s31  }
0xb: {  	s8 =	sshrl.u32 s8, $0x3;
	s13 =	sadd.s32 s30, s2;
	s10 =	sadd.s32 s5, s7  }
0xc: {  	s5 =	sadd.s32 $0xE400, s7;
	s11 =	sadd.s32 s8, s7;
	s7 =	sadd.s32 $0x61400, s10  }
0xd: {  	s8 =	sadd.s32 $0x4400, s10;
	s9 =	sadd.s32 $0x92600, s11;
	s10 =	smax.u32 s12, $0x1  }
0xe: {  	s11 =	sshrl.u32 s13, $0x3;
	s12 =	simm.s32 $0x2;
	s13 =	simm.s32 $0x2800  }
.LBB2_1:
0xf: {  	[spmem:s11], [sflag:s6] =	dma.local [hbm:s5], $0x2800  }
0x10: {  	_ =	swait.ge [sflag:s12], $0x2800  }
0x11: {  	[sflag:s12] =	ssyncset.done $0x0  }
0x12: {  	[sflag:s12] =	ssyncadd.s32 $0xFFFFD800  }
0x13: {  	[tilespmem:s3], [sflag:$0x2] =	stream.linear.gather [hbm4b:s7+s3], $0x2800, $0x38;
	[tilespmem:$0x1D000] =	vst v63  }
0x14: {  	_ =	swait.ge [sflag:s12], $0x2800  }
0x15: {  	[sflag:s12] =	ssyncset.done $0x0  }
0x16: {  	[sflag:s12] =	ssyncadd.s32 $0xFFFFD800  }
0x17: {  	[tilespmem:s13], [sflag:$0x2] =	stream.linear.gather [hbm4b:s8+s3], $0x2800, $0x38;
	[tilespmem:$0x1D000] =	vst v63  }
0x18: {  	_ =	swait.ge [sflag:s12], $0x2800  }
0x19: {  	[sflag:s12] =	ssyncset.done $0x0  }
0x1a: {  	[sflag:s12] =	ssyncadd.s32 $0xFFFFD800  }
0x1b: {  	s18 =	simm.s32 $0x0;
	[bflag:$0x0] =	sbarrier.arrive $0xFFFF  }
0x1c: {  	[tilespmem:s15], [sflag:$0x1] =	stream.indirect.gather [hbm4b:s4+s14], $0x80, s18, s14, $0xb8;
	[tilespmem:$0x1D000] =	vst v63  }
0x1d: {  	_ =	swait.ge [sflag:s16], $0x3E80  }
0x1e: {  	[sflag:s16] =	ssyncset.done $0x0  }
0x1f: {  	s31 =	simm.s32 $0x2800;
	[sflag:s16] =	ssyncadd.s32 $0xFFFFC180  }
0x20: {  	[spmem:s2] =	stream.indirect.scatter.add.f32 [tilespmem:s15], [sflag:$0x2], $0x80, s31, s14, $0xb8;
	[tilespmem:$0x1D000] =	vst v63  }
0x21: {  	_ =	swait.ge [sflag:s12], $0x3E80  }
0x22: {  	s19 =	simm.s32 $0x400;
	s18 =	simm.s32 $0x200;
	[sflag:s12] =	ssyncset.done $0x0  }
.LBB2_2:
0x23: {  	s20 =	sshra.s32 s18, $0x2  }
0x24: {  	[sflag:s12] =	ssyncadd.s32 $0xFFFFC180;
	s18 =	smov.u32 s19;
	s21 =	sadd.s32 $0x200, s19  }
0x25: {  	[tilespmem:s15], [sflag:$0x1] =	stream.indirect.gather [hbm4b:s4+s14], $0x80, s20, s14, $0xb8;
	[tilespmem:$0x1D000] =	vst v63  }
0x26: {  	p0 =	sne.s32 s19, $0x9E00;
	_ =	swait.ge [sflag:s16], $0x3E80  }
.Ltmp0:
0x27: {  	[sflag:s16] =	ssyncset.done $0x0;
	(pc) =	sbr.rel @p0 .LBB2_2-.Ltmp0, $4  }
0x28: {  	s19 =	sadd.s32 $0x2800, s20;
	[sflag:s16] =	ssyncadd.s32 $0xFFFFC180  }
0x29: {  	[spmem:s2] =	stream.indirect.scatter.add.f32 [tilespmem:s15], [sflag:$0x2], $0x80, s19, s14, $0xb8;
	[tilespmem:$0x1D000] =	vst v63  }
0x2a: {  	_ =	swait.ge [sflag:s12], $0x3E80  }
0x2b: {  	s19 =	smov.u32 s21;
	[sflag:s12] =	ssyncset.done $0x0  }
0x2c: {  	s18 =	sshra.s32 s18, $0x2;
	[sflag:s12] =	ssyncadd.s32 $0xFFFFC180  }
0x2d: {  	[tilespmem:s15], [sflag:$0x1] =	stream.indirect.gather [hbm4b:s4+s14], $0x80, s18, s14, $0xb8;
	[tilespmem:$0x1D000] =	vst v63  }
0x2e: {  	_ =	swait.ge [sflag:s16], $0x3E80  }
0x2f: {  	[sflag:s16] =	ssyncset.done $0x0  }
0x30: {  	s18 =	sadd.s32 $0x2800, s18;
	[sflag:s16] =	ssyncadd.s32 $0xFFFFC180  }
0x31: {  	[spmem:s2] =	stream.indirect.scatter.add.f32 [tilespmem:s15], [sflag:$0x2], $0x80, s18, s14, $0xb8;
	[tilespmem:$0x1D000] =	vst v63  }
0x32: {  	_ =	swait.ge [sflag:s12], $0x3E80  }
0x33: {  	s17 =	sadd.s32 $0x1, s17;
	[sflag:s12] =	ssyncset.done $0x0  }
0x34: {  	p0 =	sne.s32 s17, s10;
	[sflag:s12] =	ssyncadd.s32 $0xFFFFC180  }
.Ltmp1:
0x35: {  	[bflag:$0x0] =	sbarrier.arrive $0xFFFF;
	(pc) =	sbr.rel @p0 .LBB2_1-.Ltmp1, $4  }
0x36: {  	[hbm:s9], [sflag:s6] =	dma.local [spmem:s11], $0x2800  }
0x37: {  	_ =	swait.ge [sflag:s12], $0x2800  }
0x38: {  	[sflag:s12] =	ssyncset.done $0x0  }
0x39: {  	[sflag:s12] =	ssyncadd.s32 $0xFFFFD800  }
0x3a: {  	_ =	sfence.sel $0x180000  }
0x3b: {  	[bflag:$0x0] =	sbarrier.arrive $0xFFFF  }
0x3c: {  	p0 =	sne.s32 s0, $0x0;
	_ =	strace $0x9000004A  }
0x3d: {  	s0 =	sadd.s32 @!p0 $0x100000, s1;
	[bflag:$0x2] =	sbarrier.arrive $0xFFFF  }
0x3e: {  	[sflag:s0] =	ssyncadd.tile.s32 @!p0 $0x1;
	_ =	shalt  }
.Lfunc_end2:
_tile_overlayer_lowered:
.L_overlay_start_2:
0x3f: {  	(tag) =	ssettag $0x2  }
0x40: {  	s0 =	rddreg [dreg:$0x0];
	s2 =	stileid.u32  }
0x41: {  	s1 =	rddreg [dreg:$0x1];
	p0 =	sne.s32 s2, $0x0  }
0x42: {  	s3 =	rddreg [dreg:$0x2];
	[bflag:$0x3] =	sbarrier.arrive $0xFFFF;
	s2 =	simm.s32 @!p0 $0x1C02  }
0x43: {  	[timem:s3], [sflag:s2] =	dma.local @!p0 [hbm:s0], s1  }
0x44: {  	s0 =	simm.s32 @!p0 $0x2  }
0x45: {  	_ =	swait.ge @!p0 [sflag:s0], s1  }
0x46: {  	s1 =	ssub.s32 @!p0 $0x0, s1;
	[sflag:s0] =	ssyncset.done @!p0 $0x0  }
0x47: {  	[sflag:s0] =	ssyncadd.s32 @!p0 s1  }
0x48: {  	[bflag:$0x3] =	sbarrier.arrive $0xFFFF  }
0x49: {  	_ =	shalt  }

// kernel: kernel.16.cloned.1.call-start
scs
__scs_entry_jumppad:
0x0: {  	(pc) =	sbr.rel $0x88, $3  }
0x1: {  	(tag) =	ssettag $0x0;
	lr =	simm.s32 $0x1  }
0x2: {  	[smem:$0x3F90] =	sst lr;
	_ =	strace $0xD0000000  }
0x3: {  	_ = 	snop  }
0x4: {  	_ = 	snop  }
0x5: {  	_ = 	snop  }
0x6: {  	_ = 	snop  }
0x7: {  	_ = 	snop  }
__scs_overlays_trampoline_lowered:
0x8: {  	[smem:$0x3F9F] =	sst s0  }
0x9: {  	[smem:$0x3FA0] =	sst s1  }
0xa: {  	[smem:$0x3FA1] =	sst s2  }
0xb: {  	[smem:$0x3FA2] =	sst s3  }
0xc: {  	[smem:$0x3FA3] =	sst s4  }
0xd: {  	[smem:$0x3FA4] =	sst s5  }
0xe: {  	[smem:$0x3FA5] =	sst s6  }
0xf: {  	[smem:$0x3FA6] =	sst s7  }
0x10: {  	[smem:$0x3FA7] =	sst s8  }
0x11: {  	[smem:$0x3FA8] =	sst s9;
	s0 =	simm.s32 @!p0 $0x0  }
0x12: {  	s1 =	sld [smem:$0x3F8E];
	s0 =	simm.s32 @p0 $0x1  }
0x13: {  	[smem:$0x3FA9] =	sst s0;
	s0 =	simm.s32 @!p1 $0x0  }
0x14: {  	s2 =	sld [smem:$0x3F8D];
	s0 =	simm.s32 @p1 $0x1  }
0x15: {  	[smem:$0x3FAA] =	sst s0;
	s0 =	simm.s32 @!p2 $0x0  }
0x16: {  	s3 =	sld [smem:$0x3FDB];
	s0 =	simm.s32 @p2 $0x1  }
0x17: {  	s4 =	simm.s32 $0x1BF5;
	[smem:$0x3FAC] =	sst s0  }
0x18: {  	s0 =	sld [smem:$0x3F8F];
	_ =	swait.ge [sflag:s4], $0x0  }
0x19: {  	s7 =	sld [smem:$0x3F90]  }
0x1a: {  	s8 =	sadd.s32 $0xFFFFE003, lr  }
0x1b: {  	s9 =	sadd.s32 $0xFFFFFEF7, lr;
	s5 =	simm.s32 $0xFFFFFFFF;
	p2 =	slt.u32 s8, $0xFFFFF086  }
0x1c: {  	p1 =	slt.u32 s9, $0xF7A;
	s5 =	simm.s32 @!p2 $0x0  }
0x1d: {  	s5 =	simm.s32 @p1 $0x1;
	p0 =	seq.s32 s7, s2  }
0x1e: {  	s7 =	smul.u32 @!p0 $0xF7A, s2;
	p2 =	seq.s32 @!p0 s5, $0x0  }
0x1f: {  	s9 =	smul.u32 $0xF7A, s1;
	s8 =	simm.s32 @!p0 $0x1BF5;
	p2 =	por !p2, p0  }
0x20: {  	[sflag:s8] =	ssyncset.s32 @!p0 $0xFFFFF086;
	s6 =	sadd.s32 @!p0 s3, s7;
	s7 =	simm.s32 @!p0 $0x108  }
0x21: {  	s3 =	sadd.s32 s3, s9;
	s6 =	sadd.s32 @!p0 $0x88, s6;
	s7 =	simm.s32 @p2 $0x1082  }
0x22: {  	[simem:s7], [sflag:s8] =	dma.local @!p0 [hbm:s6], $0xF7A  }
0x23: {  	s9 =	sor.u32 $0xD0000000, s2;
	s6 =	simm.s32 $0x108;
	_ =	swait.ge @!p0 [sflag:s8], $0x0  }
0x24: {  	s3 =	sadd.s32 $0x88, s3;
	s6 =	simm.s32 @!p1 $0x1082;
	[sflag:s4] =	ssyncset.s32 $0xFFFFF086  }
0x25: {  	[simem:s6], [sflag:s4] =	dma.local [hbm:s3], $0xF7A  }
0x26: {  	[smem:$0x3F90] =	sst s1;
	(tag) =	ssettag s2;
	_ =	strace s9  }
0x27: {  	s1 =	sld [smem:$0x3FA0]  }
0x28: {  	s2 =	sld [smem:$0x3FA1]  }
0x29: {  	s4 =	sld [smem:$0x3FA3]  }
0x2a: {  	p0 =	seq.s32 s5, $0x0;
	s5 =	sld [smem:$0x3FA4]  }
0x2b: {  	s6 =	sld [smem:$0x3FA5]  }
0x2c: {  	s7 =	sld [smem:$0x3FA6]  }
0x2d: {  	s3 =	simm.s32 $0x108;
	s8 =	sld [smem:$0x3FA7]  }
0x2e: {  	s3 =	simm.s32 @!p0 $0x1082;
	s9 =	sld [smem:$0x3FA8]  }
0x2f: {  	lr =	sadd.s32 s0, s3;
	s0 =	sld [smem:$0x3F9F]  }
0x30: {  	s3 =	sld [smem:$0x3FA2]  }
0x31: {  	[smem:$0x3FAB] =	sst s10  }
0x32: {  	s10 =	sld [smem:$0x3FA9];
	_ =	sdelay $0x3  }
0x33: {  	p0 =	seq.s32 s10, $0x1;
	s10 =	sld [smem:$0x3FAB];
	_ =	sdelay $0x3  }
0x34: {  	[smem:$0x3FAB] =	sst s10  }
0x35: {  	s10 =	sld [smem:$0x3FAA];
	_ =	sdelay $0x3  }
0x36: {  	p1 =	seq.s32 s10, $0x1;
	s10 =	sld [smem:$0x3FAB];
	_ =	sdelay $0x3  }
0x37: {  	[smem:$0x3FAB] =	sst s10  }
0x38: {  	s10 =	sld [smem:$0x3FAC]  }
0x39: {  	_ = 	snop;
	(pc) =	sbr.ind lr, $3  }
0x3a: {  	_ = 	snop  }
0x3b: {  	_ = 	snop  }
0x3c: {  	p2 =	seq.s32 s10, $0x1;
	s10 =	sld [smem:$0x3FAB]  }
0x3d: {  	_ =	shalt  }
0x3e: {  	_ =	shalt  }
0x3f: {  	_ =	shalt  }
0x40: {  	_ =	shalt  }
0x41: {  	_ =	shalt  }
0x42: {  	_ =	shalt  }
0x43: {  	_ =	shalt  }
0x44: {  	_ =	shalt  }
0x45: {  	_ =	shalt  }
0x46: {  	_ =	shalt  }
0x47: {  	_ =	shalt  }
0x48: {  	_ =	shalt  }
0x49: {  	_ =	shalt  }
0x4a: {  	_ =	shalt  }
0x4b: {  	_ =	shalt  }
0x4c: {  	_ =	shalt  }
0x4d: {  	_ =	shalt  }
0x4e: {  	_ =	shalt  }
0x4f: {  	_ =	shalt  }
0x50: {  	_ =	shalt  }
0x51: {  	_ =	shalt  }
0x52: {  	_ =	shalt  }
0x53: {  	_ =	shalt  }
0x54: {  	_ =	shalt  }
0x55: {  	_ =	shalt  }
0x56: {  	_ =	shalt  }
0x57: {  	_ =	shalt  }
0x58: {  	_ =	shalt  }
0x59: {  	_ =	shalt  }
0x5a: {  	_ =	shalt  }
0x5b: {  	_ =	shalt  }
0x5c: {  	_ =	shalt  }
0x5d: {  	_ =	shalt  }
0x5e: {  	_ =	shalt  }
0x5f: {  	_ =	shalt  }
0x60: {  	_ =	shalt  }
0x61: {  	_ =	shalt  }
0x62: {  	_ =	shalt  }
0x63: {  	_ =	shalt  }
0x64: {  	_ =	shalt  }
0x65: {  	_ =	shalt  }
0x66: {  	_ =	shalt  }
0x67: {  	_ =	shalt  }
0x68: {  	_ =	shalt  }
0x69: {  	_ =	shalt  }
0x6a: {  	_ =	shalt  }
0x6b: {  	_ =	shalt  }
0x6c: {  	_ =	shalt  }
0x6d: {  	_ =	shalt  }
0x6e: {  	_ =	shalt  }
0x6f: {  	_ =	shalt  }
0x70: {  	_ =	shalt  }
0x71: {  	_ =	shalt  }
0x72: {  	_ =	shalt  }
0x73: {  	_ =	shalt  }
0x74: {  	_ =	shalt  }
0x75: {  	_ =	shalt  }
0x76: {  	_ =	shalt  }
0x77: {  	_ =	shalt  }
0x78: {  	_ =	shalt  }
0x79: {  	_ =	shalt  }
0x7a: {  	_ =	shalt  }
0x7b: {  	_ =	shalt  }
0x7c: {  	_ =	shalt  }
0x7d: {  	_ =	shalt  }
0x7e: {  	_ =	shalt  }
0x7f: {  	_ =	shalt  }
0x80: {  	_ =	shalt  }
0x81: {  	_ =	shalt  }
0x82: {  	_ =	shalt  }
0x83: {  	_ =	shalt  }
0x84: {  	_ =	shalt  }
0x85: {  	_ =	shalt  }
0x86: {  	_ =	shalt  }
0x87: {  	_ =	shalt  }
.Lfunc_end0:
.L_simem_size_0:
called_computation.2_lowered:
.L_overlay_start_0:
0x88: {  	s2 =	sld [smem:$0x3FD9]  }
0x89: {  	s3 =	sld [smem:$0x3FFE];
	_ =	sdelay $0x1  }
0x8a: {  	s1 =	srdreg.scid  }
0x8b: {  	s0 =	sand.u32 $0x1, s1  }
0x8c: {  	s16 =	sshll.u32 s0, $0xA;
	s2 =	sadd.s32 s3, s2  }
0x8d: {  	s2 =	sadd.s32 s2, s16  }
0x8e: {  	[smem:$0x3FB7] =	sst s2  }
0x8f: {  	_ = 	snop  }
0x90: {  	(tm) =	ssettm $0x1  }
0x91: {  	s17 =	sld [smem:$0x3FFB];
	_ =	sdelay $0x3  }
0x92: {  	_ =	strace s17  }
0x93: {  	s2 =	sld [smem:$0x3FFC];
	_ =	sdelay $0x3  }
0x94: {  	_ =	strace s2  }
0x95: {  	s2 =	sld [smem:$0x3FFD];
	_ =	sdelay $0x3  }
0x96: {  	_ =	strace s2  }
0x97: {  	_ =	strace $0x8FFFFFFF  }
0x98: {  	s18 =	sld [smem:$0x3FDB];
	_ =	sdelay $0x1  }
0x99: {  	s19 =	simm.s32 $_scs_section_size  }
0x9a: {  	s4 =	simm.s32 $_size__tile_overlayer_lowered;
	s5 =	simm.s32 $_tile_overlayer_lowered  }
0x9b: {  	s22 =	simm.s32 $0x1BFF;
	s21 =	sshll.u32 s5, $0x1;
	s2 =	sadd.s32 s19, s18  }
0x9c: {  	s6 =	simm.s32 $0x0;
	s20 =	sshll.u32 s4, $0x1;
	s4 =	sadd.s32 s21, s2  }
0x9d: {  	[timem:s6], [sflag:s22] =	dma.local [hbm:s4], s20  }
0x9e: {  	_ =	swait.ge [sflag:s22], s20  }
0x9f: {  	s3 =	ssub.s32 $0x0, s20;
	[sflag:s22] =	ssyncset.done $0x0  }
0xa0: {  	[sflag:s22] =	ssyncadd.s32 s3;
	_ =	sdelay $0x1  }
0xa1: {  	s23 =	simm.s32 $0x1B8B  }
0xa2: {  	_ =	swait.ge [sflag:s23], $0x1  }
0xa3: {  	[sflag:s23] =	ssyncset.done $0x0  }
0xa4: {  	s25 =	simm.s32 $0x1B8E;
	s24 =	sld [smem:$0x3FFE];
	[sflag:s23] =	ssyncadd.s32 $0xFFFFFFFF  }
0xa5: {  	s26 =	simm.s32 $execute0_lowered;
	[smem:$0x3FD2] =	sst s25  }
0xa6: {  	s4 =	sshll.u32 s26, $0x1;
	_ =	strace $0x8000004C;
	[dreg:$0x1] =	wrdreg $0xFFFFFFFF  }
0xa7: {  	s28 =	simm.s32 $_size_execute0_lowered;
	s2 =	sadd.s32 s2, s4;
	[dreg:$0x0] =	wrdreg $0x0  }
0xa8: {  	s4 =	sshll.u32 s28, $0x1;
	[dreg:$0x2] =	wrdreg s2  }
0xa9: {  	[dreg:$0x3] =	wrdreg s4  }
0xaa: {  	[dreg:$0x4] =	wrdreg $0xC0  }
0xab: {  	_ =	task [dreg:s6], $0x5FFFF  }
0xac: {  	[dreg:$0x1] =	wrdreg $0xFFFFFFFF  }
0xad: {  	[dreg:$0x0] =	wrdreg $0x60  }
0xae: {  	[dreg:$0x2] =	wrdreg s24  }
0xaf: {  	[dreg:$0x3] =	wrdreg $0x90000  }
0xb0: {  	[dreg:$0x4] =	wrdreg $0x9  }
0xb1: {  	_ =	task.clear_ibuf [dreg:s6], $0x5FFFF;
	_ =	strace $0x9000004C  }
0xb2: {  	s29 =	simm.s32 $0x9;
	_ =	strace $0x8000004E  }
0xb3: {  	_ =	swait.ge [sflag:s29], $0x1  }
0xb4: {  	[sflag:s29] =	ssyncadd.s32 $0xFFFFFFFF  }
0xb5: {  	_ =	strace $0x9000004E  }
0xb6: {  	_ =	sfence  }
0xb7: {  	s30 =	sld [smem:$0x0];
	_ =	sdelay $0x2  }
0xb8: {  	s31 =	sshll.u32 s1, $0xD;
	s1 =	sshrl.u32 s1, $0x2  }
0xb9: {  	s3 =	sand.u32 $0x4000, s31;
	s1 =	sadd.s32 s1, s30  }
0xba: {  	s0 =	sor.u32 s3, s0;
	s1 =	sshll.u32 s1, $0x11  }
0xbb: {  	s0 =	sor.u32 s1, s0  }
0xbc: {  	s0 =	sadd.s32 $0x8F2B, s0  }
0xbd: {  	[sflag:s0] =	ssyncadd.remote.s32 $0x1  }
0xbe: {  	_ =	sfence.sel $0xFFFF  }
0xbf: {  	[dreg:$0x0] =	wrdreg $0xFFFFFFFF;
	(pc) =	sbr.abs _section_cstart, $3  }
0xc0: {  	[dreg:$0x1] =	wrdreg $0xFFFFFFFF  }
0xc1: {  	_ =	task.clear_ibuf [dreg:s6], $0x2FFFF;
	_ =	strace $0x9FFFFFFF  }
0xc2: {  	(tm) =	ssettm $0x7FFFFFFF  }
0xc3: {  	_ =	shalt  }
tec
execute0_lowered:
.L_overlay_start_1:
0x0: {  	(tag) =	ssettag $0x1  }
0x1: {  	s7 =	rddreg [dreg:$0x0]  }
0x2: {  	s0 =	srdreg.scid;
	s2 =	rddreg [dreg:$0x1]  }
0x3: {  	s3 =	simm.s32 $0x0;
	s14 =	simm.s32 $0x7D;
	s15 =	simm.s32 $0x5000  }
0x4: {  	s16 =	simm.s32 $0x1;
	s6 =	sand.u32 $0x1, s0;
	s0 =	stileid.u32  }
0x5: {  	s17 =	simm.s32 $0x0;
	[smem:$0x7FF] =	sst s3;
	s8 =	smul.u32 $0x140000, s6  }
0x6: {  	s4 =	sadd.s32 $0x6B400, s7;
	s1 =	sshll.u32 s6, $0x4;
	s9 =	smul.u32 $0x14000, s0  }
0x7: {  	s28 =	smul.u32 $0x50000, s0;
	s6 =	ssub.s32 $0x2, s6;
	s1 =	sor.u32 s0, s1  }
0x8: {  	s31 =	sshll.u32 s0, $0x6;
	s29 =	sshrl.u32 s6, $0x1;
	s5 =	smul.u32 $0x500, s1  }
0x9: {  	s1 =	rddreg [dreg:$0x2];
	_ =	strace $0x8000004D;
	s8 =	sadd.s32 s9, s8  }
0xa: {  	s30 =	sshrl.u32 s28, $0x2;
	s12 =	ssub.s32 s6, s29;
	s6 =	sor.u32 $0x1C02, s31  }
0xb: {  	s8 =	sshrl.u32 s8, $0x3;
	s13 =	sadd.s32 s30, s2;
	s10 =	sadd.s32 s5, s7  }
0xc: {  	s5 =	sadd.s32 $0xE400, s7;
	s11 =	sadd.s32 s8, s7;
	s7 =	sadd.s32 $0x61400, s10  }
0xd: {  	s8 =	sadd.s32 $0x4400, s10;
	s9 =	sadd.s32 $0x92600, s11;
	s10 =	smax.u32 s12, $0x1  }
0xe: {  	s11 =	sshrl.u32 s13, $0x3;
	s12 =	simm.s32 $0x2;
	s13 =	simm.s32 $0x2800  }
.LBB2_1:
0xf: {  	[spmem:s11], [sflag:s6] =	dma.local [hbm:s5], $0x2800  }
0x10: {  	_ =	swait.ge [sflag:s12], $0x2800  }
0x11: {  	[sflag:s12] =	ssyncset.done $0x0  }
0x12: {  	[sflag:s12] =	ssyncadd.s32 $0xFFFFD800  }
0x13: {  	[tilespmem:s3], [sflag:$0x2] =	stream.linear.gather [hbm4b:s7+s3], $0x2800, $0x38;
	[tilespmem:$0x1D000] =	vst v63  }
0x14: {  	_ =	swait.ge [sflag:s12], $0x2800  }
0x15: {  	[sflag:s12] =	ssyncset.done $0x0  }
0x16: {  	[sflag:s12] =	ssyncadd.s32 $0xFFFFD800  }
0x17: {  	[tilespmem:s13], [sflag:$0x2] =	stream.linear.gather [hbm4b:s8+s3], $0x2800, $0x38;
	[tilespmem:$0x1D000] =	vst v63  }
0x18: {  	_ =	swait.ge [sflag:s12], $0x2800  }
0x19: {  	[sflag:s12] =	ssyncset.done $0x0  }
0x1a: {  	[sflag:s12] =	ssyncadd.s32 $0xFFFFD800  }
0x1b: {  	s18 =	simm.s32 $0x0;
	[bflag:$0x0] =	sbarrier.arrive $0xFFFF  }
0x1c: {  	[tilespmem:s15], [sflag:$0x1] =	stream.indirect.gather [hbm4b:s4+s14], $0x80, s18, s14, $0xb8;
	[tilespmem:$0x1D000] =	vst v63  }
0x1d: {  	_ =	swait.ge [sflag:s16], $0x3E80  }
0x1e: {  	[sflag:s16] =	ssyncset.done $0x0  }
0x1f: {  	s31 =	simm.s32 $0x2800;
	[sflag:s16] =	ssyncadd.s32 $0xFFFFC180  }
0x20: {  	[spmem:s2] =	stream.indirect.scatter.add.f32 [tilespmem:s15], [sflag:$0x2], $0x80, s31, s14, $0xb8;
	[tilespmem:$0x1D000] =	vst v63  }
0x21: {  	_ =	swait.ge [sflag:s12], $0x3E80  }
0x22: {  	s19 =	simm.s32 $0x400;
	s18 =	simm.s32 $0x200;
	[sflag:s12] =	ssyncset.done $0x0  }
.LBB2_2:
0x23: {  	s20 =	sshra.s32 s18, $0x2  }
0x24: {  	[sflag:s12] =	ssyncadd.s32 $0xFFFFC180;
	s18 =	smov.u32 s19;
	s21 =	sadd.s32 $0x200, s19  }
0x25: {  	[tilespmem:s15], [sflag:$0x1] =	stream.indirect.gather [hbm4b:s4+s14], $0x80, s20, s14, $0xb8;
	[tilespmem:$0x1D000] =	vst v63  }
0x26: {  	p0 =	sne.s32 s19, $0x9E00;
	_ =	swait.ge [sflag:s16], $0x3E80  }
.Ltmp0:
0x27: {  	[sflag:s16] =	ssyncset.done $0x0;
	(pc) =	sbr.rel @p0 .LBB2_2-.Ltmp0, $4  }
0x28: {  	s19 =	sadd.s32 $0x2800, s20;
	[sflag:s16] =	ssyncadd.s32 $0xFFFFC180  }
0x29: {  	[spmem:s2] =	stream.indirect.scatter.add.f32 [tilespmem:s15], [sflag:$0x2], $0x80, s19, s14, $0xb8;
	[tilespmem:$0x1D000] =	vst v63  }
0x2a: {  	_ =	swait.ge [sflag:s12], $0x3E80  }
0x2b: {  	s19 =	smov.u32 s21;
	[sflag:s12] =	ssyncset.done $0x0  }
0x2c: {  	s18 =	sshra.s32 s18, $0x2;
	[sflag:s12] =	ssyncadd.s32 $0xFFFFC180  }
0x2d: {  	[tilespmem:s15], [sflag:$0x1] =	stream.indirect.gather [hbm4b:s4+s14], $0x80, s18, s14, $0xb8;
	[tilespmem:$0x1D000] =	vst v63  }
0x2e: {  	_ =	swait.ge [sflag:s16], $0x3E80  }
0x2f: {  	[sflag:s16] =	ssyncset.done $0x0  }
0x30: {  	s18 =	sadd.s32 $0x2800, s18;
	[sflag:s16] =	ssyncadd.s32 $0xFFFFC180  }
0x31: {  	[spmem:s2] =	stream.indirect.scatter.add.f32 [tilespmem:s15], [sflag:$0x2], $0x80, s18, s14, $0xb8;
	[tilespmem:$0x1D000] =	vst v63  }
0x32: {  	_ =	swait.ge [sflag:s12], $0x3E80  }
0x33: {  	s17 =	sadd.s32 $0x1, s17;
	[sflag:s12] =	ssyncset.done $0x0  }
0x34: {  	p0 =	sne.s32 s17, s10;
	[sflag:s12] =	ssyncadd.s32 $0xFFFFC180  }
.Ltmp1:
0x35: {  	[bflag:$0x0] =	sbarrier.arrive $0xFFFF;
	(pc) =	sbr.rel @p0 .LBB2_1-.Ltmp1, $4  }
0x36: {  	[hbm:s9], [sflag:s6] =	dma.local [spmem:s11], $0x2800  }
0x37: {  	_ =	swait.ge [sflag:s12], $0x2800  }
0x38: {  	[sflag:s12] =	ssyncset.done $0x0  }
0x39: {  	[sflag:s12] =	ssyncadd.s32 $0xFFFFD800  }
0x3a: {  	_ =	sfence.sel $0x180000  }
0x3b: {  	[bflag:$0x0] =	sbarrier.arrive $0xFFFF  }
0x3c: {  	p0 =	sne.s32 s0, $0x0;
	_ =	strace $0x9000004D  }
0x3d: {  	s0 =	sadd.s32 @!p0 $0x100000, s1;
	[bflag:$0x2] =	sbarrier.arrive $0xFFFF  }
0x3e: {  	[sflag:s0] =	ssyncadd.tile.s32 @!p0 $0x1;
	_ =	shalt  }
.Lfunc_end2:
_tile_overlayer_lowered:
.L_overlay_start_2:
0x3f: {  	(tag) =	ssettag $0x2  }
0x40: {  	s0 =	rddreg [dreg:$0x0];
	s2 =	stileid.u32  }
0x41: {  	s1 =	rddreg [dreg:$0x1];
	p0 =	sne.s32 s2, $0x0  }
0x42: {  	s3 =	rddreg [dreg:$0x2];
	[bflag:$0x3] =	sbarrier.arrive $0xFFFF;
	s2 =	simm.s32 @!p0 $0x1C02  }
0x43: {  	[timem:s3], [sflag:s2] =	dma.local @!p0 [hbm:s0], s1  }
0x44: {  	s0 =	simm.s32 @!p0 $0x2  }
0x45: {  	_ =	swait.ge @!p0 [sflag:s0], s1  }
0x46: {  	s1 =	ssub.s32 @!p0 $0x0, s1;
	[sflag:s0] =	ssyncset.done @!p0 $0x0  }
0x47: {  	[sflag:s0] =	ssyncadd.s32 @!p0 s1  }
0x48: {  	[bflag:$0x3] =	sbarrier.arrive $0xFFFF  }
0x49: {  	_ =	shalt  }

// kernel: kernel.19.cloned.1.call-start
scs
__scs_entry_jumppad:
0x0: {  	(pc) =	sbr.rel $0x88, $3  }
0x1: {  	(tag) =	ssettag $0x0;
	lr =	simm.s32 $0x1  }
0x2: {  	[smem:$0x3F90] =	sst lr;
	_ =	strace $0xD0000000  }
0x3: {  	_ = 	snop  }
0x4: {  	_ = 	snop  }
0x5: {  	_ = 	snop  }
0x6: {  	_ = 	snop  }
0x7: {  	_ = 	snop  }
__scs_overlays_trampoline_lowered:
0x8: {  	[smem:$0x3F9F] =	sst s0  }
0x9: {  	[smem:$0x3FA0] =	sst s1  }
0xa: {  	[smem:$0x3FA1] =	sst s2  }
0xb: {  	[smem:$0x3FA2] =	sst s3  }
0xc: {  	[smem:$0x3FA3] =	sst s4  }
0xd: {  	[smem:$0x3FA4] =	sst s5  }
0xe: {  	[smem:$0x3FA5] =	sst s6  }
0xf: {  	[smem:$0x3FA6] =	sst s7  }
0x10: {  	[smem:$0x3FA7] =	sst s8  }
0x11: {  	[smem:$0x3FA8] =	sst s9;
	s0 =	simm.s32 @!p0 $0x0  }
0x12: {  	s1 =	sld [smem:$0x3F8E];
	s0 =	simm.s32 @p0 $0x1  }
0x13: {  	[smem:$0x3FA9] =	sst s0;
	s0 =	simm.s32 @!p1 $0x0  }
0x14: {  	s2 =	sld [smem:$0x3F8D];
	s0 =	simm.s32 @p1 $0x1  }
0x15: {  	[smem:$0x3FAA] =	sst s0;
	s0 =	simm.s32 @!p2 $0x0  }
0x16: {  	s3 =	sld [smem:$0x3FDB];
	s0 =	simm.s32 @p2 $0x1  }
0x17: {  	s4 =	simm.s32 $0x1BF5;
	[smem:$0x3FAC] =	sst s0  }
0x18: {  	s0 =	sld [smem:$0x3F8F];
	_ =	swait.ge [sflag:s4], $0x0  }
0x19: {  	s7 =	sld [smem:$0x3F90]  }
0x1a: {  	s8 =	sadd.s32 $0xFFFFE003, lr  }
0x1b: {  	s9 =	sadd.s32 $0xFFFFFEF7, lr;
	s5 =	simm.s32 $0xFFFFFFFF;
	p2 =	slt.u32 s8, $0xFFFFF086  }
0x1c: {  	p1 =	slt.u32 s9, $0xF7A;
	s5 =	simm.s32 @!p2 $0x0  }
0x1d: {  	s5 =	simm.s32 @p1 $0x1;
	p0 =	seq.s32 s7, s2  }
0x1e: {  	s7 =	smul.u32 @!p0 $0xF7A, s2;
	p2 =	seq.s32 @!p0 s5, $0x0  }
0x1f: {  	s9 =	smul.u32 $0xF7A, s1;
	s8 =	simm.s32 @!p0 $0x1BF5;
	p2 =	por !p2, p0  }
0x20: {  	[sflag:s8] =	ssyncset.s32 @!p0 $0xFFFFF086;
	s6 =	sadd.s32 @!p0 s3, s7;
	s7 =	simm.s32 @!p0 $0x108  }
0x21: {  	s3 =	sadd.s32 s3, s9;
	s6 =	sadd.s32 @!p0 $0x88, s6;
	s7 =	simm.s32 @p2 $0x1082  }
0x22: {  	[simem:s7], [sflag:s8] =	dma.local @!p0 [hbm:s6], $0xF7A  }
0x23: {  	s9 =	sor.u32 $0xD0000000, s2;
	s6 =	simm.s32 $0x108;
	_ =	swait.ge @!p0 [sflag:s8], $0x0  }
0x24: {  	s3 =	sadd.s32 $0x88, s3;
	s6 =	simm.s32 @!p1 $0x1082;
	[sflag:s4] =	ssyncset.s32 $0xFFFFF086  }
0x25: {  	[simem:s6], [sflag:s4] =	dma.local [hbm:s3], $0xF7A  }
0x26: {  	[smem:$0x3F90] =	sst s1;
	(tag) =	ssettag s2;
	_ =	strace s9  }
0x27: {  	s1 =	sld [smem:$0x3FA0]  }
0x28: {  	s2 =	sld [smem:$0x3FA1]  }
0x29: {  	s4 =	sld [smem:$0x3FA3]  }
0x2a: {  	p0 =	seq.s32 s5, $0x0;
	s5 =	sld [smem:$0x3FA4]  }
0x2b: {  	s6 =	sld [smem:$0x3FA5]  }
0x2c: {  	s7 =	sld [smem:$0x3FA6]  }
0x2d: {  	s3 =	simm.s32 $0x108;
	s8 =	sld [smem:$0x3FA7]  }
0x2e: {  	s3 =	simm.s32 @!p0 $0x1082;
	s9 =	sld [smem:$0x3FA8]  }
0x2f: {  	lr =	sadd.s32 s0, s3;
	s0 =	sld [smem:$0x3F9F]  }
0x30: {  	s3 =	sld [smem:$0x3FA2]  }
0x31: {  	[smem:$0x3FAB] =	sst s10  }
0x32: {  	s10 =	sld [smem:$0x3FA9];
	_ =	sdelay $0x3  }
0x33: {  	p0 =	seq.s32 s10, $0x1;
	s10 =	sld [smem:$0x3FAB];
	_ =	sdelay $0x3  }
0x34: {  	[smem:$0x3FAB] =	sst s10  }
0x35: {  	s10 =	sld [smem:$0x3FAA];
	_ =	sdelay $0x3  }
0x36: {  	p1 =	seq.s32 s10, $0x1;
	s10 =	sld [smem:$0x3FAB];
	_ =	sdelay $0x3  }
0x37: {  	[smem:$0x3FAB] =	sst s10  }
0x38: {  	s10 =	sld [smem:$0x3FAC]  }
0x39: {  	_ = 	snop;
	(pc) =	sbr.ind lr, $3  }
0x3a: {  	_ = 	snop  }
0x3b: {  	_ = 	snop  }
0x3c: {  	p2 =	seq.s32 s10, $0x1;
	s10 =	sld [smem:$0x3FAB]  }
0x3d: {  	_ =	shalt  }
0x3e: {  	_ =	shalt  }
0x3f: {  	_ =	shalt  }
0x40: {  	_ =	shalt  }
0x41: {  	_ =	shalt  }
0x42: {  	_ =	shalt  }
0x43: {  	_ =	shalt  }
0x44: {  	_ =	shalt  }
0x45: {  	_ =	shalt  }
0x46: {  	_ =	shalt  }
0x47: {  	_ =	shalt  }
0x48: {  	_ =	shalt  }
0x49: {  	_ =	shalt  }
0x4a: {  	_ =	shalt  }
0x4b: {  	_ =	shalt  }
0x4c: {  	_ =	shalt  }
0x4d: {  	_ =	shalt  }
0x4e: {  	_ =	shalt  }
0x4f: {  	_ =	shalt  }
0x50: {  	_ =	shalt  }
0x51: {  	_ =	shalt  }
0x52: {  	_ =	shalt  }
0x53: {  	_ =	shalt  }
0x54: {  	_ =	shalt  }
0x55: {  	_ =	shalt  }
0x56: {  	_ =	shalt  }
0x57: {  	_ =	shalt  }
0x58: {  	_ =	shalt  }
0x59: {  	_ =	shalt  }
0x5a: {  	_ =	shalt  }
0x5b: {  	_ =	shalt  }
0x5c: {  	_ =	shalt  }
0x5d: {  	_ =	shalt  }
0x5e: {  	_ =	shalt  }
0x5f: {  	_ =	shalt  }
0x60: {  	_ =	shalt  }
0x61: {  	_ =	shalt  }
0x62: {  	_ =	shalt  }
0x63: {  	_ =	shalt  }
0x64: {  	_ =	shalt  }
0x65: {  	_ =	shalt  }
0x66: {  	_ =	shalt  }
0x67: {  	_ =	shalt  }
0x68: {  	_ =	shalt  }
0x69: {  	_ =	shalt  }
0x6a: {  	_ =	shalt  }
0x6b: {  	_ =	shalt  }
0x6c: {  	_ =	shalt  }
0x6d: {  	_ =	shalt  }
0x6e: {  	_ =	shalt  }
0x6f: {  	_ =	shalt  }
0x70: {  	_ =	shalt  }
0x71: {  	_ =	shalt  }
0x72: {  	_ =	shalt  }
0x73: {  	_ =	shalt  }
0x74: {  	_ =	shalt  }
0x75: {  	_ =	shalt  }
0x76: {  	_ =	shalt  }
0x77: {  	_ =	shalt  }
0x78: {  	_ =	shalt  }
0x79: {  	_ =	shalt  }
0x7a: {  	_ =	shalt  }
0x7b: {  	_ =	shalt  }
0x7c: {  	_ =	shalt  }
0x7d: {  	_ =	shalt  }
0x7e: {  	_ =	shalt  }
0x7f: {  	_ =	shalt  }
0x80: {  	_ =	shalt  }
0x81: {  	_ =	shalt  }
0x82: {  	_ =	shalt  }
0x83: {  	_ =	shalt  }
0x84: {  	_ =	shalt  }
0x85: {  	_ =	shalt  }
0x86: {  	_ =	shalt  }
0x87: {  	_ =	shalt  }
.Lfunc_end0:
.L_simem_size_0:
called_computation.3_lowered:
.L_overlay_start_0:
0x88: {  	s2 =	sld [smem:$0x3FD9]  }
0x89: {  	s3 =	sld [smem:$0x3FFE];
	_ =	sdelay $0x1  }
0x8a: {  	s1 =	srdreg.scid  }
0x8b: {  	s0 =	sand.u32 $0x1, s1  }
0x8c: {  	s16 =	sshll.u32 s0, $0xA;
	s2 =	sadd.s32 s3, s2  }
0x8d: {  	s2 =	sadd.s32 s2, s16  }
0x8e: {  	[smem:$0x3FB7] =	sst s2  }
0x8f: {  	_ = 	snop  }
0x90: {  	(tm) =	ssettm $0x1  }
0x91: {  	s17 =	sld [smem:$0x3FFB];
	_ =	sdelay $0x3  }
0x92: {  	_ =	strace s17  }
0x93: {  	s2 =	sld [smem:$0x3FFC];
	_ =	sdelay $0x3  }
0x94: {  	_ =	strace s2  }
0x95: {  	s2 =	sld [smem:$0x3FFD];
	_ =	sdelay $0x3  }
0x96: {  	_ =	strace s2  }
0x97: {  	_ =	strace $0x8FFFFFFF  }
0x98: {  	s18 =	sld [smem:$0x3FDB];
	_ =	sdelay $0x1  }
0x99: {  	s19 =	simm.s32 $_scs_section_size  }
0x9a: {  	s4 =	simm.s32 $_size__tile_overlayer_lowered;
	s5 =	simm.s32 $_tile_overlayer_lowered  }
0x9b: {  	s22 =	simm.s32 $0x1BFF;
	s21 =	sshll.u32 s5, $0x1;
	s2 =	sadd.s32 s19, s18  }
0x9c: {  	s6 =	simm.s32 $0x0;
	s20 =	sshll.u32 s4, $0x1;
	s4 =	sadd.s32 s21, s2  }
0x9d: {  	[timem:s6], [sflag:s22] =	dma.local [hbm:s4], s20  }
0x9e: {  	_ =	swait.ge [sflag:s22], s20  }
0x9f: {  	s3 =	ssub.s32 $0x0, s20;
	[sflag:s22] =	ssyncset.done $0x0  }
0xa0: {  	[sflag:s22] =	ssyncadd.s32 s3;
	_ =	sdelay $0x1  }
0xa1: {  	s23 =	simm.s32 $0x1B8B  }
0xa2: {  	_ =	swait.ge [sflag:s23], $0x1  }
0xa3: {  	[sflag:s23] =	ssyncset.done $0x0  }
0xa4: {  	s25 =	simm.s32 $0x1B8E;
	s24 =	sld [smem:$0x3FFE];
	[sflag:s23] =	ssyncadd.s32 $0xFFFFFFFF  }
0xa5: {  	s26 =	simm.s32 $execute0_lowered;
	[smem:$0x3FD2] =	sst s25  }
0xa6: {  	s4 =	sshll.u32 s26, $0x1;
	_ =	strace $0x8000004F;
	[dreg:$0x1] =	wrdreg $0xFFFFFFFF  }
0xa7: {  	s28 =	simm.s32 $_size_execute0_lowered;
	s2 =	sadd.s32 s2, s4;
	[dreg:$0x0] =	wrdreg $0x0  }
0xa8: {  	s4 =	sshll.u32 s28, $0x1;
	[dreg:$0x2] =	wrdreg s2  }
0xa9: {  	[dreg:$0x3] =	wrdreg s4  }
0xaa: {  	[dreg:$0x4] =	wrdreg $0xC0  }
0xab: {  	_ =	task [dreg:s6], $0x5FFFF  }
0xac: {  	[dreg:$0x1] =	wrdreg $0xFFFFFFFF  }
0xad: {  	[dreg:$0x0] =	wrdreg $0x60  }
0xae: {  	[dreg:$0x2] =	wrdreg s24  }
0xaf: {  	[dreg:$0x3] =	wrdreg $0x90000  }
0xb0: {  	[dreg:$0x4] =	wrdreg $0x9  }
0xb1: {  	_ =	task.clear_ibuf [dreg:s6], $0x5FFFF;
	_ =	strace $0x9000004F  }
0xb2: {  	s29 =	simm.s32 $0x9;
	_ =	strace $0x80000051  }
0xb3: {  	_ =	swait.ge [sflag:s29], $0x1  }
0xb4: {  	[sflag:s29] =	ssyncadd.s32 $0xFFFFFFFF  }
0xb5: {  	_ =	strace $0x90000051  }
0xb6: {  	_ =	sfence  }
0xb7: {  	s30 =	sld [smem:$0x0];
	_ =	sdelay $0x2  }
0xb8: {  	s31 =	sshll.u32 s1, $0xD;
	s1 =	sshrl.u32 s1, $0x2  }
0xb9: {  	s3 =	sand.u32 $0x4000, s31;
	s1 =	sadd.s32 s1, s30  }
0xba: {  	s0 =	sor.u32 s3, s0;
	s1 =	sshll.u32 s1, $0x11  }
0xbb: {  	s0 =	sor.u32 s1, s0  }
0xbc: {  	s0 =	sadd.s32 $0x8F2B, s0  }
0xbd: {  	[sflag:s0] =	ssyncadd.remote.s32 $0x1  }
0xbe: {  	_ =	sfence.sel $0xFFFF  }
0xbf: {  	[dreg:$0x0] =	wrdreg $0xFFFFFFFF;
	(pc) =	sbr.abs _section_cstart, $3  }
0xc0: {  	[dreg:$0x1] =	wrdreg $0xFFFFFFFF  }
0xc1: {  	_ =	task.clear_ibuf [dreg:s6], $0x2FFFF;
	_ =	strace $0x9FFFFFFF  }
0xc2: {  	(tm) =	ssettm $0x7FFFFFFF  }
0xc3: {  	_ =	shalt  }
tec
execute0_lowered:
.L_overlay_start_1:
0x0: {  	(tag) =	ssettag $0x1  }
0x1: {  	s7 =	rddreg [dreg:$0x0]  }
0x2: {  	s0 =	srdreg.scid;
	s2 =	rddreg [dreg:$0x1]  }
0x3: {  	s3 =	simm.s32 $0x0;
	s14 =	simm.s32 $0x7D;
	s15 =	simm.s32 $0x5000  }
0x4: {  	s16 =	simm.s32 $0x1;
	s6 =	sand.u32 $0x1, s0;
	s0 =	stileid.u32  }
0x5: {  	s17 =	simm.s32 $0x0;
	[smem:$0x7FF] =	sst s3;
	s8 =	smul.u32 $0x140000, s6  }
0x6: {  	s4 =	sadd.s32 $0x6B400, s7;
	s1 =	sshll.u32 s6, $0x4;
	s9 =	smul.u32 $0x14000, s0  }
0x7: {  	s28 =	smul.u32 $0x50000, s0;
	s6 =	ssub.s32 $0x2, s6;
	s1 =	sor.u32 s0, s1  }
0x8: {  	s31 =	sshll.u32 s0, $0x6;
	s29 =	sshrl.u32 s6, $0x1;
	s5 =	smul.u32 $0x500, s1  }
0x9: {  	s1 =	rddreg [dreg:$0x2];
	_ =	strace $0x80000050;
	s8 =	sadd.s32 s9, s8  }
0xa: {  	s30 =	sshrl.u32 s28, $0x2;
	s12 =	ssub.s32 s6, s29;
	s6 =	sor.u32 $0x1C02, s31  }
0xb: {  	s8 =	sshrl.u32 s8, $0x3;
	s13 =	sadd.s32 s30, s2;
	s10 =	sadd.s32 s5, s7  }
0xc: {  	s5 =	sadd.s32 $0xE400, s7;
	s11 =	sadd.s32 s8, s7;
	s7 =	sadd.s32 $0x61400, s10  }
0xd: {  	s8 =	sadd.s32 $0x4400, s10;
	s9 =	sadd.s32 $0x92600, s11;
	s10 =	smax.u32 s12, $0x1  }
0xe: {  	s11 =	sshrl.u32 s13, $0x3;
	s12 =	simm.s32 $0x2;
	s13 =	simm.s32 $0x2800  }
.LBB2_1:
0xf: {  	[spmem:s11], [sflag:s6] =	dma.local [hbm:s5], $0x2800  }
0x10: {  	_ =	swait.ge [sflag:s12], $0x2800  }
0x11: {  	[sflag:s12] =	ssyncset.done $0x0  }
0x12: {  	[sflag:s12] =	ssyncadd.s32 $0xFFFFD800  }
0x13: {  	[tilespmem:s3], [sflag:$0x2] =	stream.linear.gather [hbm4b:s7+s3], $0x2800, $0x38;
	[tilespmem:$0x1D000] =	vst v63  }
0x14: {  	_ =	swait.ge [sflag:s12], $0x2800  }
0x15: {  	[sflag:s12] =	ssyncset.done $0x0  }
0x16: {  	[sflag:s12] =	ssyncadd.s32 $0xFFFFD800  }
0x17: {  	[tilespmem:s13], [sflag:$0x2] =	stream.linear.gather [hbm4b:s8+s3], $0x2800, $0x38;
	[tilespmem:$0x1D000] =	vst v63  }
0x18: {  	_ =	swait.ge [sflag:s12], $0x2800  }
0x19: {  	[sflag:s12] =	ssyncset.done $0x0  }
0x1a: {  	[sflag:s12] =	ssyncadd.s32 $0xFFFFD800  }
0x1b: {  	s18 =	simm.s32 $0x0;
	[bflag:$0x0] =	sbarrier.arrive $0xFFFF  }
0x1c: {  	[tilespmem:s15], [sflag:$0x1] =	stream.indirect.gather [hbm4b:s4+s14], $0x80, s18, s14, $0xb8;
	[tilespmem:$0x1D000] =	vst v63  }
0x1d: {  	_ =	swait.ge [sflag:s16], $0x3E80  }
0x1e: {  	[sflag:s16] =	ssyncset.done $0x0  }
0x1f: {  	s31 =	simm.s32 $0x2800;
	[sflag:s16] =	ssyncadd.s32 $0xFFFFC180  }
0x20: {  	[spmem:s2] =	stream.indirect.scatter.add.f32 [tilespmem:s15], [sflag:$0x2], $0x80, s31, s14, $0xb8;
	[tilespmem:$0x1D000] =	vst v63  }
0x21: {  	_ =	swait.ge [sflag:s12], $0x3E80  }
0x22: {  	s19 =	simm.s32 $0x400;
	s18 =	simm.s32 $0x200;
	[sflag:s12] =	ssyncset.done $0x0  }
.LBB2_2:
0x23: {  	s20 =	sshra.s32 s18, $0x2  }
0x24: {  	[sflag:s12] =	ssyncadd.s32 $0xFFFFC180;
	s18 =	smov.u32 s19;
	s21 =	sadd.s32 $0x200, s19  }
0x25: {  	[tilespmem:s15], [sflag:$0x1] =	stream.indirect.gather [hbm4b:s4+s14], $0x80, s20, s14, $0xb8;
	[tilespmem:$0x1D000] =	vst v63  }
0x26: {  	p0 =	sne.s32 s19, $0x9E00;
	_ =	swait.ge [sflag:s16], $0x3E80  }
.Ltmp0:
0x27: {  	[sflag:s16] =	ssyncset.done $0x0;
	(pc) =	sbr.rel @p0 .LBB2_2-.Ltmp0, $4  }
0x28: {  	s19 =	sadd.s32 $0x2800, s20;
	[sflag:s16] =	ssyncadd.s32 $0xFFFFC180  }
0x29: {  	[spmem:s2] =	stream.indirect.scatter.add.f32 [tilespmem:s15], [sflag:$0x2], $0x80, s19, s14, $0xb8;
	[tilespmem:$0x1D000] =	vst v63  }
0x2a: {  	_ =	swait.ge [sflag:s12], $0x3E80  }
0x2b: {  	s19 =	smov.u32 s21;
	[sflag:s12] =	ssyncset.done $0x0  }
0x2c: {  	s18 =	sshra.s32 s18, $0x2;
	[sflag:s12] =	ssyncadd.s32 $0xFFFFC180  }
0x2d: {  	[tilespmem:s15], [sflag:$0x1] =	stream.indirect.gather [hbm4b:s4+s14], $0x80, s18, s14, $0xb8;
	[tilespmem:$0x1D000] =	vst v63  }
0x2e: {  	_ =	swait.ge [sflag:s16], $0x3E80  }
0x2f: {  	[sflag:s16] =	ssyncset.done $0x0  }
0x30: {  	s18 =	sadd.s32 $0x2800, s18;
	[sflag:s16] =	ssyncadd.s32 $0xFFFFC180  }
0x31: {  	[spmem:s2] =	stream.indirect.scatter.add.f32 [tilespmem:s15], [sflag:$0x2], $0x80, s18, s14, $0xb8;
	[tilespmem:$0x1D000] =	vst v63  }
0x32: {  	_ =	swait.ge [sflag:s12], $0x3E80  }
0x33: {  	s17 =	sadd.s32 $0x1, s17;
	[sflag:s12] =	ssyncset.done $0x0  }
0x34: {  	p0 =	sne.s32 s17, s10;
	[sflag:s12] =	ssyncadd.s32 $0xFFFFC180  }
.Ltmp1:
0x35: {  	[bflag:$0x0] =	sbarrier.arrive $0xFFFF;
	(pc) =	sbr.rel @p0 .LBB2_1-.Ltmp1, $4  }
0x36: {  	[hbm:s9], [sflag:s6] =	dma.local [spmem:s11], $0x2800  }
0x37: {  	_ =	swait.ge [sflag:s12], $0x2800  }
0x38: {  	[sflag:s12] =	ssyncset.done $0x0  }
0x39: {  	[sflag:s12] =	ssyncadd.s32 $0xFFFFD800  }
0x3a: {  	_ =	sfence.sel $0x180000  }
0x3b: {  	[bflag:$0x0] =	sbarrier.arrive $0xFFFF  }
0x3c: {  	p0 =	sne.s32 s0, $0x0;
	_ =	strace $0x90000050  }
0x3d: {  	s0 =	sadd.s32 @!p0 $0x100000, s1;
	[bflag:$0x2] =	sbarrier.arrive $0xFFFF  }
0x3e: {  	[sflag:s0] =	ssyncadd.tile.s32 @!p0 $0x1;
	_ =	shalt  }
.Lfunc_end2:
_tile_overlayer_lowered:
.L_overlay_start_2:
0x3f: {  	(tag) =	ssettag $0x2  }
0x40: {  	s0 =	rddreg [dreg:$0x0];
	s2 =	stileid.u32  }
0x41: {  	s1 =	rddreg [dreg:$0x1];
	p0 =	sne.s32 s2, $0x0  }
0x42: {  	s3 =	rddreg [dreg:$0x2];
	[bflag:$0x3] =	sbarrier.arrive $0xFFFF;
	s2 =	simm.s32 @!p0 $0x1C02  }
0x43: {  	[timem:s3], [sflag:s2] =	dma.local @!p0 [hbm:s0], s1  }
0x44: {  	s0 =	simm.s32 @!p0 $0x2  }
0x45: {  	_ =	swait.ge @!p0 [sflag:s0], s1  }
0x46: {  	s1 =	ssub.s32 @!p0 $0x0, s1;
	[sflag:s0] =	ssyncset.done @!p0 $0x0  }
0x47: {  	[sflag:s0] =	ssyncadd.s32 @!p0 s1  }
0x48: {  	[bflag:$0x3] =	sbarrier.arrive $0xFFFF  }
0x49: {  	_ =	shalt  }

</sc_bundles>
